<compile_context>
chip_gen: v7x
topology: tpu7x:2x2x1
jax: 0.10.2.dev20260603
libtpu: 0.0.44.dev20260713+nightly
codegen_flags: <defaults>
</compile_context>

<pallas_src>
import functools

import jax
import jax.numpy as jnp
from jax import lax
from jax.experimental import pallas as pl
from jax.experimental.pallas import tpu as pltpu
from jax.experimental.pallas import tpu_sc as plsc

N = 10000
NPAD = 10240
E = 320000
NC = 2
NS = 16
NW = NC * NS
K = 128
CHUNKS = 79
EP = NW * CHUNKS * K
SLICE = NPAD // NS
R = 512
GRID = NPAD // R


def _sc_mesh():
    return plsc.VectorSubcoreMesh(
        core_axis_name="c", subcore_axis_name="s", num_cores=NC, num_subcores=NS
    )


def _deg_sc(dstc, ones_rows, z128):
    @functools.partial(
        pl.kernel,
        out_type=jax.ShapeDtypeStruct((NC, NPAD, 128), jnp.float32),
        mesh=_sc_mesh(),
        scratch_types=[
            pltpu.VMEM((CHUNKS, K), jnp.int32),
            pltpu.VMEM((K, 128), jnp.float32),
            pltpu.VMEM_SHARED((NPAD, 128), jnp.float32),
        ],
    )
    def deg_k(dst_hbm, ones_hbm, z_hbm, out_hbm, dl, onesl, acc):
        cid = lax.axis_index("c")
        sid = lax.axis_index("s")
        wid = cid * NS + sid
        pltpu.sync_copy(dst_hbm.at[wid], dl)
        pltpu.sync_copy(ones_hbm, onesl)
        pltpu.sync_copy(z_hbm.at[pl.ds(sid * SLICE, SLICE)],
                        acc.at[pl.ds(sid * SLICE, SLICE)])
        plsc.subcore_barrier()

        def body(c, carry):
            pltpu.sync_copy(onesl, acc.at[dl.at[c]], add=True)
            return carry

        lax.fori_loop(0, CHUNKS, body, 0)
        plsc.subcore_barrier()
        pltpu.sync_copy(acc.at[pl.ds(sid * SLICE, SLICE)],
                        out_hbm.at[cid, pl.ds(sid * SLICE, SLICE)])

    return deg_k(dstc, ones_rows, z128)


def _agg_sc(g, srcc, dstc, z128):
    @functools.partial(
        pl.kernel,
        out_type=jax.ShapeDtypeStruct((NC, NPAD, 128), jnp.float32),
        mesh=_sc_mesh(),
        scratch_types=[
            pltpu.VMEM((CHUNKS, K), jnp.int32),
            pltpu.VMEM((CHUNKS, K), jnp.int32),
            pltpu.VMEM((K, 128), jnp.float32),
            pltpu.VMEM_SHARED((NPAD, 128), jnp.float32),
            pltpu.SemaphoreType.DMA,
        ],
    )
    def agg_k(g_hbm, src_hbm, dst_hbm, z_hbm, out_hbm, srcl, dstl, rows, acc, sem):
        cid = lax.axis_index("c")
        sid = lax.axis_index("s")
        wid = cid * NS + sid
        pltpu.sync_copy(src_hbm.at[wid], srcl)
        pltpu.sync_copy(dst_hbm.at[wid], dstl)
        pltpu.sync_copy(z_hbm.at[pl.ds(sid * SLICE, SLICE)],
                        acc.at[pl.ds(sid * SLICE, SLICE)])
        plsc.subcore_barrier()

        def body(c, carry):
            pltpu.async_copy(g_hbm.at[srcl.at[c]], rows, sem).wait()
            pltpu.sync_copy(rows, acc.at[dstl.at[c]], add=True)
            return carry

        lax.fori_loop(0, CHUNKS, body, 0)
        plsc.subcore_barrier()
        pltpu.sync_copy(acc.at[pl.ds(sid * SLICE, SLICE)],
                        out_hbm.at[cid, pl.ds(sid * SLICE, SLICE)])

    return agg_k(g, srcc, dstc, z128)


def _row_spec(width):
    return pl.BlockSpec((R, width), lambda i: (i, 0))


def _full_spec(shape):
    return pl.BlockSpec(shape, lambda i: tuple(0 for _ in shape))


def _tc1(f, p4, dinv, A1, c1, w2T, b2, W1a, W1b):
    def body(f_ref, p4_ref, d_ref, A1_ref, c1_ref, w2T_ref, b2_ref, Wa_ref, Wb_ref, o_ref):
        ph = jnp.dot(p4_ref[...], A1_ref[...], preferred_element_type=jnp.float32)
        ph = jnp.maximum(ph + c1_ref[...], 0.0)
        pos = jnp.dot(ph, w2T_ref[...], preferred_element_type=jnp.float32) + b2_ref[...]
        h = jnp.dot(f_ref[...], Wa_ref[...], preferred_element_type=jnp.float32)
        h = h + jnp.dot(pos, Wb_ref[...], preferred_element_type=jnp.float32)
        o_ref[...] = h * d_ref[...]

    return pl.pallas_call(
        body,
        grid=(GRID,),
        in_specs=[
            _row_spec(128), _row_spec(4), _row_spec(1),
            _full_spec((4, 128)), _full_spec((1, 128)), _full_spec((128, 128)),
            _full_spec((1, 128)), _full_spec((128, 128)), _full_spec((128, 128)),
        ],
        out_specs=_row_spec(128),
        out_shape=jax.ShapeDtypeStruct((NPAD, 128), jnp.float32),
    )(f, p4, dinv, A1, c1, w2T, b2, W1a, W1b)


def _tc_mid(aggp, g, dinv, b, W, relu):
    def body(a_ref, g_ref, d_ref, b_ref, W_ref, o_ref):
        s = a_ref[0] + a_ref[1] + g_ref[...]
        out = s * d_ref[...] + b_ref[...]
        if relu:
            out = jnp.maximum(out, 0.0)
        o_ref[...] = jnp.dot(out, W_ref[...], preferred_element_type=jnp.float32) * d_ref[...]

    return pl.pallas_call(
        body,
        grid=(GRID,),
        in_specs=[
            pl.BlockSpec((2, R, 128), lambda i: (0, i, 0)),
            _row_spec(128), _row_spec(1),
            _full_spec((1, 128)), _full_spec((128, 128)),
        ],
        out_specs=_row_spec(128),
        out_shape=jax.ShapeDtypeStruct((NPAD, 128), jnp.float32),
    )(aggp, g, dinv, b, W)


def _tc_last(aggp, g, dinv, b):
    def body(a_ref, g_ref, d_ref, b_ref, o_ref):
        s = a_ref[0] + a_ref[1] + g_ref[...]
        o_ref[...] = s * d_ref[...] + b_ref[...]

    return pl.pallas_call(
        body,
        grid=(GRID,),
        in_specs=[
            pl.BlockSpec((2, R, 128), lambda i: (0, i, 0)),
            _row_spec(128), _row_spec(1),
            _full_spec((1, 128)),
        ],
        out_specs=_row_spec(128),
        out_shape=jax.ShapeDtypeStruct((NPAD, 128), jnp.float32),
    )(aggp, g, dinv, b)


def kernel(x, edge_index, pe_w1, pe_b1, bn_gamma, bn_beta, bn_mean, bn_var,
           pe_w2, pe_b2, conv1_W, conv1_b, conv3_W, conv3_b, conv2_W, conv2_b):
    f32 = jnp.float32
    x2 = x[:, 0, :]
    f = jnp.pad(x2[:, :128], ((0, NPAD - N), (0, 0)))
    p4 = jnp.pad(x2[:, 128:132], ((0, NPAD - N), (0, 0)))

    s = bn_gamma * lax.rsqrt(bn_var + 1e-5)
    A1 = pe_w1.T * s[None, :]
    c1 = ((pe_b1 - bn_mean) * s + bn_beta)[None, :]
    w2T = pe_w2.T
    b2p = pe_b2[None, :]
    W1a = conv1_W[:128]
    W1b = conv1_W[128:]

    ei = edge_index.astype(jnp.int32)
    pad_idx = jnp.full((EP - E,), N, dtype=jnp.int32)
    srcc = jnp.concatenate([ei[0], pad_idx]).reshape(NW, CHUNKS, K)
    dstc = jnp.concatenate([ei[1], pad_idx]).reshape(NW, CHUNKS, K)

    ones_rows = jnp.ones((K, 128), f32)
    z128 = jnp.zeros((NPAD, 128), f32)

    degp = _deg_sc(dstc, ones_rows, z128)
    deg = degp[0, :, 0] + degp[1, :, 0] + 1.0
    dinv = lax.rsqrt(deg)[:, None]

    g1 = _tc1(f, p4, dinv, A1, c1, w2T, b2p, W1a, W1b)
    a1 = _agg_sc(g1, srcc, dstc, z128)
    g3 = _tc_mid(a1, g1, dinv, conv1_b[None, :], conv3_W, relu=False)
    a3 = _agg_sc(g3, srcc, dstc, z128)
    g2 = _tc_mid(a3, g3, dinv, conv3_b[None, :], conv2_W, relu=True)
    a2 = _agg_sc(g2, srcc, dstc, z128)
    out = _tc_last(a2, g2, dinv, conv2_b[None, :])
    return out[:N]

# --- scband reference (transcript-rebuilt; emitter-appended) ---
"""Pipeline reference for scband-gcn-70952859730423 (READ-ONLY COPY).

The authoritative reference and input builder live on the scoring server;
editing this copy changes nothing except your own understanding.
"""

import jax, jax.numpy as jnp
import numpy as np

N_NODES = 10000
N_EDGES = 320000


def setup_inputs(seed: int = 0) -> dict:
    key = jax.random.key(seed)
    ks = jax.random.split(key, 10)
    s = 0.05
    inp = {}
    inp['x'] = jax.random.normal(ks[0], (N_NODES, 1, 132), dtype=jnp.float32)
    inp['edge_index'] = jax.random.randint(ks[1], (2, N_EDGES), 0, N_NODES)
    # PositionEmbeddingLearned params (Conv1d k=1 -> (out, in) matmul)
    inp['pe_w1'] = jax.random.normal(ks[2], (128, 4), dtype=jnp.float32) * s
    inp['pe_b1'] = jnp.zeros((128,), dtype=jnp.float32)
    inp['bn_gamma'] = jnp.ones((128,), dtype=jnp.float32)
    inp['bn_beta'] = jnp.zeros((128,), dtype=jnp.float32)
    inp['bn_mean'] = jnp.zeros((128,), dtype=jnp.float32)
    inp['bn_var'] = jnp.ones((128,), dtype=jnp.float32)
    inp['pe_w2'] = jax.random.normal(ks[3], (128, 128), dtype=jnp.float32) * s
    inp['pe_b2'] = jnp.zeros((128,), dtype=jnp.float32)
    # GCNConv weights: x @ W, W is (in, out)
    inp['conv1_W'] = jax.random.normal(ks[4], (256, 128), dtype=jnp.float32) * s
    inp['conv1_b'] = jnp.zeros((128,), dtype=jnp.float32)
    inp['conv3_W'] = jax.random.normal(ks[5], (128, 128), dtype=jnp.float32) * s
    inp['conv3_b'] = jnp.zeros((128,), dtype=jnp.float32)
    inp['conv2_W'] = jax.random.normal(ks[6], (128, 128), dtype=jnp.float32) * s
    inp['conv2_b'] = jnp.zeros((128,), dtype=jnp.float32)
    return inp


def _gcn_conv(x, edge_index, W, b):
    # PyG-style GCNConv: add self loops, symmetric normalization, scatter-add aggregation
    n = x.shape[0]
    loop = jnp.arange(n, dtype=edge_index.dtype)
    src = jnp.concatenate([edge_index[0], loop])
    dst = jnp.concatenate([edge_index[1], loop])
    h = x @ W
    deg = jnp.zeros((n,), dtype=h.dtype).at[dst].add(1.0)
    dinv = jnp.where(deg > 0, jax.lax.rsqrt(jnp.maximum(deg, 1e-12)), 0.0)
    norm = dinv[src] * dinv[dst]
    msg = h[src] * norm[:, None]
    out = jnp.zeros_like(h).at[dst].add(msg)
    return out + b[None, :]


def _pos_embed(xyz, pe_w1, pe_b1, bn_gamma, bn_beta, bn_mean, bn_var, pe_w2, pe_b2):
    # xyz: (B, N, 4) -> transpose (B, 4, N); conv1d k=1; BN (eval, running stats); relu; conv1d k=1
    xyz_t = jnp.transpose(xyz, (0, 2, 1))
    h = jnp.einsum('bcn,fc->bfn', xyz_t, pe_w1) + pe_b1[None, :, None]
    h = (h - bn_mean[None, :, None]) / jnp.sqrt(bn_var[None, :, None] + 1e-5)
    h = h * bn_gamma[None, :, None] + bn_beta[None, :, None]
    h = jax.nn.relu(h)
    h = jnp.einsum('bcn,fc->bfn', h, pe_w2) + pe_b2[None, :, None]
    return h  # (B, 128, N)


def reference(x, edge_index, pe_w1, pe_b1, bn_gamma, bn_beta, bn_mean, bn_var, pe_w2, pe_b2, conv1_W, conv1_b, conv3_W, conv3_b, conv2_W, conv2_b):
    pos = _pos_embed(x[:, :, -4:], pe_w1, pe_b1, bn_gamma, bn_beta, bn_mean, bn_var, pe_w2, pe_b2)
    pos = jnp.transpose(pos, (0, 2, 1))  # (B, N, 128)
    xcat = jnp.concatenate([x[:, :, :-4], pos], axis=2)  # (B, N, 256)
    xn = xcat[:, 0, :]  # (B, 256) -- batch dim acts as graph nodes
    xn = _gcn_conv(xn, edge_index, conv1_W, conv1_b)
    # dropout p=0.5 is identity in eval mode
    xn = _gcn_conv(xn, edge_index, conv3_W, conv3_b)
    xn = jax.nn.relu(xn)
    xn = _gcn_conv(xn, edge_index, conv2_W, conv2_b)
    return xn

if __name__ == "__main__":
    import jax
    _d = setup_inputs()
    print(jax.jit(kernel)(*tuple(_d.values())))

</pallas_src>

<mosaic_0001>
#map = affine_map<(d0, d1) -> (0, 0)>
#map1 = affine_map<(d0, d1) -> (0, 0, 0)>
module attributes {stable_mosaic.version = 14 : i64} {
  func.func @agg_k(%arg0: i32, %arg1: i32, %arg2: memref<10240x128xf32, #tpu.memory_space<hbm>>, %arg3: memref<32x79x128xi32, #tpu.memory_space<hbm>>, %arg4: memref<32x79x128xi32, #tpu.memory_space<hbm>>, %arg5: memref<10240x128xf32, #tpu.memory_space<hbm>>, %arg6: memref<2x10240x128xf32, #tpu.memory_space<hbm>>, %arg7: memref<79x128xi32, #tpu.memory_space<vmem>>, %arg8: memref<79x128xi32, #tpu.memory_space<vmem>>, %arg9: memref<128x128xf32, #tpu.memory_space<vmem>>, %arg10: memref<10240x128xf32, #tpu.memory_space<vmem_shared>>, %arg11: memref<!tpu.dma_semaphore, #tpu.memory_space<semaphore_mem>>) attributes {dimension_semantics = [#tpu.dimension_semantics<core_parallel>, #tpu.dimension_semantics<subcore_parallel>], iteration_bounds = array<i64: 2, 16>, scalar_prefetch = 0 : i64, scratch_operands = 5 : i64, tpu.core_type = #tpu.core_type<sc_vector_subcore>, window_params = [{transform_indices = #map}, {transform_indices = #map1}, {transform_indices = #map1}, {transform_indices = #map}, {transform_indices = #map1}]} {
    %mul3A = arith.constant 16 : i32
    %mul3A_0 = arith.muli %arg0, %mul3A : i32
    %add3A = arith.addi %mul3A_0, %arg1 : i32
    "tpu.region"() ({
      %run_scoped3A = tpu.sem_alloc : memref<!tpu.dma_semaphore, #tpu.memory_space<semaphore_mem>>
      %dma_start3A = arith.constant 0 : i32
      %dma_start3A_15 = arith.constant 0 : i32
      %dma_start3A_16 = tpu.memref_slice %arg3[%add3A, %dma_start3A, %dma_start3A_15] : memref<32x79x128xi32, #tpu.memory_space<hbm>> -> memref<1x79x128xi32, #tpu.memory_space<hbm>>
      %dma_start3A_17 = tpu.memref_squeeze %dma_start3A_16 : memref<1x79x128xi32, #tpu.memory_space<hbm>> -> memref<79x128xi32, #tpu.memory_space<hbm>>
      %dma_start3A_18 = arith.constant 0 : i32
      %dma_start3A_19 = arith.constant 0 : i32
      %dma_start3A_20 = tpu.memref_slice %arg3[%add3A, %dma_start3A_18, %dma_start3A_19] : memref<32x79x128xi32, #tpu.memory_space<hbm>> -> memref<1x79x128xi32, #tpu.memory_space<hbm>>
      %dma_start3A_21 = tpu.memref_squeeze %dma_start3A_20 : memref<1x79x128xi32, #tpu.memory_space<hbm>> -> memref<79x128xi32, #tpu.memory_space<hbm>>
      tpu.enqueue_dma source(%dma_start3A_21 : memref<79x128xi32, #tpu.memory_space<hbm>>) target(%arg7 : memref<79x128xi32, #tpu.memory_space<vmem>>) target_semaphore(%run_scoped3A : memref<!tpu.dma_semaphore, #tpu.memory_space<semaphore_mem>>)
      %dma_wait3A = arith.constant 0 : i32
      %dma_wait3A_22 = arith.constant 0 : i32
      %dma_wait3A_23 = tpu.memref_slice %arg3[%add3A, %dma_wait3A, %dma_wait3A_22] : memref<32x79x128xi32, #tpu.memory_space<hbm>> -> memref<1x79x128xi32, #tpu.memory_space<hbm>>
      %dma_wait3A_24 = tpu.memref_squeeze %dma_wait3A_23 : memref<1x79x128xi32, #tpu.memory_space<hbm>> -> memref<79x128xi32, #tpu.memory_space<hbm>>
      %dma_wait3A_25 = arith.constant 0 : i32
      %dma_wait3A_26 = arith.constant 0 : i32
      %dma_wait3A_27 = tpu.memref_slice %arg3[%add3A, %dma_wait3A_25, %dma_wait3A_26] : memref<32x79x128xi32, #tpu.memory_space<hbm>> -> memref<1x79x128xi32, #tpu.memory_space<hbm>>
      %dma_wait3A_28 = tpu.memref_squeeze %dma_wait3A_27 : memref<1x79x128xi32, #tpu.memory_space<hbm>> -> memref<79x128xi32, #tpu.memory_space<hbm>>
      tpu.wait_dma2 semaphore(%run_scoped3A : memref<!tpu.dma_semaphore, #tpu.memory_space<semaphore_mem>>) src(%dma_wait3A_28 : memref<79x128xi32, #tpu.memory_space<hbm>>) dst(%arg7 : memref<79x128xi32, #tpu.memory_space<vmem>>)
      tpu.yield
    }) : () -> ()
    "tpu.region"() ({
      %run_scoped3A = tpu.sem_alloc : memref<!tpu.dma_semaphore, #tpu.memory_space<semaphore_mem>>
      %dma_start3A = arith.constant 0 : i32
      %dma_start3A_15 = arith.constant 0 : i32
      %dma_start3A_16 = tpu.memref_slice %arg4[%add3A, %dma_start3A, %dma_start3A_15] : memref<32x79x128xi32, #tpu.memory_space<hbm>> -> memref<1x79x128xi32, #tpu.memory_space<hbm>>
      %dma_start3A_17 = tpu.memref_squeeze %dma_start3A_16 : memref<1x79x128xi32, #tpu.memory_space<hbm>> -> memref<79x128xi32, #tpu.memory_space<hbm>>
      %dma_start3A_18 = arith.constant 0 : i32
      %dma_start3A_19 = arith.constant 0 : i32
      %dma_start3A_20 = tpu.memref_slice %arg4[%add3A, %dma_start3A_18, %dma_start3A_19] : memref<32x79x128xi32, #tpu.memory_space<hbm>> -> memref<1x79x128xi32, #tpu.memory_space<hbm>>
      %dma_start3A_21 = tpu.memref_squeeze %dma_start3A_20 : memref<1x79x128xi32, #tpu.memory_space<hbm>> -> memref<79x128xi32, #tpu.memory_space<hbm>>
      tpu.enqueue_dma source(%dma_start3A_21 : memref<79x128xi32, #tpu.memory_space<hbm>>) target(%arg8 : memref<79x128xi32, #tpu.memory_space<vmem>>) target_semaphore(%run_scoped3A : memref<!tpu.dma_semaphore, #tpu.memory_space<semaphore_mem>>)
      %dma_wait3A = arith.constant 0 : i32
      %dma_wait3A_22 = arith.constant 0 : i32
      %dma_wait3A_23 = tpu.memref_slice %arg4[%add3A, %dma_wait3A, %dma_wait3A_22] : memref<32x79x128xi32, #tpu.memory_space<hbm>> -> memref<1x79x128xi32, #tpu.memory_space<hbm>>
      %dma_wait3A_24 = tpu.memref_squeeze %dma_wait3A_23 : memref<1x79x128xi32, #tpu.memory_space<hbm>> -> memref<79x128xi32, #tpu.memory_space<hbm>>
      %dma_wait3A_25 = arith.constant 0 : i32
      %dma_wait3A_26 = arith.constant 0 : i32
      %dma_wait3A_27 = tpu.memref_slice %arg4[%add3A, %dma_wait3A_25, %dma_wait3A_26] : memref<32x79x128xi32, #tpu.memory_space<hbm>> -> memref<1x79x128xi32, #tpu.memory_space<hbm>>
      %dma_wait3A_28 = tpu.memref_squeeze %dma_wait3A_27 : memref<1x79x128xi32, #tpu.memory_space<hbm>> -> memref<79x128xi32, #tpu.memory_space<hbm>>
      tpu.wait_dma2 semaphore(%run_scoped3A : memref<!tpu.dma_semaphore, #tpu.memory_space<semaphore_mem>>) src(%dma_wait3A_28 : memref<79x128xi32, #tpu.memory_space<hbm>>) dst(%arg8 : memref<79x128xi32, #tpu.memory_space<vmem>>)
      tpu.yield
    }) : () -> ()
    %mul3A_1 = arith.constant 640 : i32
    %mul3A_2 = arith.muli %arg1, %mul3A_1 : i32
    %mul3A_3 = arith.constant 640 : i32
    %mul3A_4 = arith.muli %arg1, %mul3A_3 : i32
    "tpu.region"() ({
      %run_scoped3A = tpu.sem_alloc : memref<!tpu.dma_semaphore, #tpu.memory_space<semaphore_mem>>
      %dma_start3A = arith.constant 0 : i32
      %dma_start3A_15 = tpu.memref_slice %arg10[%mul3A_4, %dma_start3A] : memref<10240x128xf32, #tpu.memory_space<vmem_shared>> -> memref<640x128xf32, #tpu.memory_space<vmem_shared>>
      %dma_start3A_16 = arith.constant 0 : i32
      %dma_start3A_17 = tpu.memref_slice %arg5[%mul3A_2, %dma_start3A_16] : memref<10240x128xf32, #tpu.memory_space<hbm>> -> memref<640x128xf32, #tpu.memory_space<hbm>>
      tpu.enqueue_dma source(%dma_start3A_17 : memref<640x128xf32, #tpu.memory_space<hbm>>) target(%dma_start3A_15 : memref<640x128xf32, #tpu.memory_space<vmem_shared>>) target_semaphore(%run_scoped3A : memref<!tpu.dma_semaphore, #tpu.memory_space<semaphore_mem>>)
      %dma_wait3A = arith.constant 0 : i32
      %dma_wait3A_18 = tpu.memref_slice %arg10[%mul3A_4, %dma_wait3A] : memref<10240x128xf32, #tpu.memory_space<vmem_shared>> -> memref<640x128xf32, #tpu.memory_space<vmem_shared>>
      %dma_wait3A_19 = arith.constant 0 : i32
      %dma_wait3A_20 = tpu.memref_slice %arg5[%mul3A_2, %dma_wait3A_19] : memref<10240x128xf32, #tpu.memory_space<hbm>> -> memref<640x128xf32, #tpu.memory_space<hbm>>
      tpu.wait_dma2 semaphore(%run_scoped3A : memref<!tpu.dma_semaphore, #tpu.memory_space<semaphore_mem>>) src(%dma_wait3A_20 : memref<640x128xf32, #tpu.memory_space<hbm>>) dst(%dma_wait3A_18 : memref<640x128xf32, #tpu.memory_space<vmem_shared>>)
      tpu.yield
    }) : () -> ()
    %barrier3A = arith.constant 0 : index
    tpu.barrier barrier_id(%barrier3A)
    %scan3A = arith.constant 0 : i32
    %scan3A_5 = arith.constant 0 : i32
    %scan3A_6 = arith.constant 79 : i32
    %scan3A_7 = arith.addi %scan3A_5, %scan3A_6 : i32
    %scan3A_8 = arith.constant 1 : i32
    scf.for %scan3A_15 = %scan3A_5 to %scan3A_7 step %scan3A_8  : i32 {
      %dma_start3A = arith.constant 0 : i32
      %dma_start3A_16 = tpu.memref_slice %arg7[%scan3A_15, %dma_start3A] : memref<79x128xi32, #tpu.memory_space<vmem>> -> memref<1x128xi32, #tpu.memory_space<vmem>>
      %dma_start3A_17 = tpu.memref_squeeze %dma_start3A_16 : memref<1x128xi32, #tpu.memory_space<vmem>> -> memref<128xi32, #tpu.memory_space<vmem>>
      %dma_start3A_18 = arith.constant 0 : i32
      %dma_start3A_19 = arith.constant 0 : i32
      %dma_start3A_20 = tpu.memref_slice %arg2[%dma_start3A_18, %dma_start3A_19] : memref<10240x128xf32, #tpu.memory_space<hbm>> -> memref<10240x128xf32, #tpu.memory_space<hbm>>
      tpu.enqueue_indirect_dma source(%dma_start3A_20 : memref<10240x128xf32, #tpu.memory_space<hbm>>) target(%arg9 : memref<128x128xf32, #tpu.memory_space<vmem>>) offsets(%dma_start3A_17 : memref<128xi32, #tpu.memory_space<vmem>>) semaphore(%arg11 : memref<!tpu.dma_semaphore, #tpu.memory_space<semaphore_mem>>)
      %dma_wait3A = arith.constant 0 : i32
      %dma_wait3A_21 = tpu.memref_slice %arg7[%scan3A_15, %dma_wait3A] : memref<79x128xi32, #tpu.memory_space<vmem>> -> memref<1x128xi32, #tpu.memory_space<vmem>>
      %dma_wait3A_22 = tpu.memref_squeeze %dma_wait3A_21 : memref<1x128xi32, #tpu.memory_space<vmem>> -> memref<128xi32, #tpu.memory_space<vmem>>
      %dma_wait3A_23 = arith.constant 0 : i32
      %dma_wait3A_24 = arith.constant 0 : i32
      %dma_wait3A_25 = tpu.memref_slice %arg2[%dma_wait3A_23, %dma_wait3A_24] : memref<10240x128xf32, #tpu.memory_space<hbm>> -> memref<10240x128xf32, #tpu.memory_space<hbm>>
      tpu.wait_indirect_dma semaphore(%arg11 : memref<!tpu.dma_semaphore, #tpu.memory_space<semaphore_mem>>) src(%dma_wait3A_25 : memref<10240x128xf32, #tpu.memory_space<hbm>>) dst(%arg9 : memref<128x128xf32, #tpu.memory_space<vmem>>)
      "tpu.region"() ({
        %run_scoped3A = tpu.sem_alloc : memref<!tpu.dma_semaphore, #tpu.memory_space<semaphore_mem>>
        %dma_start3A_26 = arith.constant 0 : i32
        %dma_start3A_27 = tpu.memref_slice %arg8[%scan3A_15, %dma_start3A_26] : memref<79x128xi32, #tpu.memory_space<vmem>> -> memref<1x128xi32, #tpu.memory_space<vmem>>
        %dma_start3A_28 = tpu.memref_squeeze %dma_start3A_27 : memref<1x128xi32, #tpu.memory_space<vmem>> -> memref<128xi32, #tpu.memory_space<vmem>>
        %dma_start3A_29 = arith.constant 0 : i32
        %dma_start3A_30 = arith.constant 0 : i32
        %dma_start3A_31 = tpu.memref_slice %arg10[%dma_start3A_29, %dma_start3A_30] : memref<10240x128xf32, #tpu.memory_space<vmem_shared>> -> memref<10240x128xf32, #tpu.memory_space<vmem_shared>>
        tpu.enqueue_indirect_dma source(%arg9 : memref<128x128xf32, #tpu.memory_space<vmem>>) target(%dma_start3A_31 : memref<10240x128xf32, #tpu.memory_space<vmem_shared>>) offsets(%dma_start3A_28 : memref<128xi32, #tpu.memory_space<vmem>>) semaphore(%run_scoped3A : memref<!tpu.dma_semaphore, #tpu.memory_space<semaphore_mem>>) {add = true}
        %dma_wait3A_32 = arith.constant 0 : i32
        %dma_wait3A_33 = tpu.memref_slice %arg8[%scan3A_15, %dma_wait3A_32] : memref<79x128xi32, #tpu.memory_space<vmem>> -> memref<1x128xi32, #tpu.memory_space<vmem>>
        %dma_wait3A_34 = tpu.memref_squeeze %dma_wait3A_33 : memref<1x128xi32, #tpu.memory_space<vmem>> -> memref<128xi32, #tpu.memory_space<vmem>>
        %dma_wait3A_35 = arith.constant 0 : i32
        %dma_wait3A_36 = arith.constant 0 : i32
        %dma_wait3A_37 = tpu.memref_slice %arg10[%dma_wait3A_35, %dma_wait3A_36] : memref<10240x128xf32, #tpu.memory_space<vmem_shared>> -> memref<10240x128xf32, #tpu.memory_space<vmem_shared>>
        tpu.wait_indirect_dma semaphore(%run_scoped3A : memref<!tpu.dma_semaphore, #tpu.memory_space<semaphore_mem>>) src(%arg9 : memref<128x128xf32, #tpu.memory_space<vmem>>) dst(%dma_wait3A_37 : memref<10240x128xf32, #tpu.memory_space<vmem_shared>>)
        tpu.yield
      }) : () -> ()
    }
    %scan3A_9 = arith.constant 79 : i32
    %barrier3A_10 = arith.constant 0 : index
    tpu.barrier barrier_id(%barrier3A_10)
    %mul3A_11 = arith.constant 640 : i32
    %mul3A_12 = arith.muli %arg1, %mul3A_11 : i32
    %mul3A_13 = arith.constant 640 : i32
    %mul3A_14 = arith.muli %arg1, %mul3A_13 : i32
    "tpu.region"() ({
      %run_scoped3A = tpu.sem_alloc : memref<!tpu.dma_semaphore, #tpu.memory_space<semaphore_mem>>
      %dma_start3A = arith.constant 0 : i32
      %dma_start3A_15 = tpu.memref_slice %arg6[%arg0, %mul3A_14, %dma_start3A] : memref<2x10240x128xf32, #tpu.memory_space<hbm>> -> memref<1x640x128xf32, #tpu.memory_space<hbm>>
      %dma_start3A_16 = tpu.memref_squeeze %dma_start3A_15 : memref<1x640x128xf32, #tpu.memory_space<hbm>> -> memref<640x128xf32, #tpu.memory_space<hbm>>
      %dma_start3A_17 = arith.constant 0 : i32
      %dma_start3A_18 = tpu.memref_slice %arg10[%mul3A_12, %dma_start3A_17] : memref<10240x128xf32, #tpu.memory_space<vmem_shared>> -> memref<640x128xf32, #tpu.memory_space<vmem_shared>>
      tpu.enqueue_dma source(%dma_start3A_18 : memref<640x128xf32, #tpu.memory_space<vmem_shared>>) target(%dma_start3A_16 : memref<640x128xf32, #tpu.memory_space<hbm>>) target_semaphore(%run_scoped3A : memref<!tpu.dma_semaphore, #tpu.memory_space<semaphore_mem>>)
      %dma_wait3A = arith.constant 0 : i32
      %dma_wait3A_19 = tpu.memref_slice %arg6[%arg0, %mul3A_14, %dma_wait3A] : memref<2x10240x128xf32, #tpu.memory_space<hbm>> -> memref<1x640x128xf32, #tpu.memory_space<hbm>>
      %dma_wait3A_20 = tpu.memref_squeeze %dma_wait3A_19 : memref<1x640x128xf32, #tpu.memory_space<hbm>> -> memref<640x128xf32, #tpu.memory_space<hbm>>
      %dma_wait3A_21 = arith.constant 0 : i32
      %dma_wait3A_22 = tpu.memref_slice %arg10[%mul3A_12, %dma_wait3A_21] : memref<10240x128xf32, #tpu.memory_space<vmem_shared>> -> memref<640x128xf32, #tpu.memory_space<vmem_shared>>
      tpu.wait_dma2 semaphore(%run_scoped3A : memref<!tpu.dma_semaphore, #tpu.memory_space<semaphore_mem>>) src(%dma_wait3A_22 : memref<640x128xf32, #tpu.memory_space<vmem_shared>>) dst(%dma_wait3A_20 : memref<640x128xf32, #tpu.memory_space<hbm>>)
      tpu.yield
    }) : () -> ()
    return
  }
}

#map = affine_map<(d0, d1) -> (0, 0, 0)>
#map1 = affine_map<(d0, d1) -> (0, 0)>
module attributes {stable_mosaic.version = 14 : i64} {
  func.func @deg_k(%arg0: i32, %arg1: i32, %arg2: memref<32x79x128xi32, #tpu.memory_space<hbm>>, %arg3: memref<128x128xf32, #tpu.memory_space<hbm>>, %arg4: memref<10240x128xf32, #tpu.memory_space<hbm>>, %arg5: memref<2x10240x128xf32, #tpu.memory_space<hbm>>, %arg6: memref<79x128xi32, #tpu.memory_space<vmem>>, %arg7: memref<128x128xf32, #tpu.memory_space<vmem>>, %arg8: memref<10240x128xf32, #tpu.memory_space<vmem_shared>>) attributes {dimension_semantics = [#tpu.dimension_semantics<core_parallel>, #tpu.dimension_semantics<subcore_parallel>], iteration_bounds = array<i64: 2, 16>, scalar_prefetch = 0 : i64, scratch_operands = 3 : i64, tpu.core_type = #tpu.core_type<sc_vector_subcore>, window_params = [{transform_indices = #map}, {transform_indices = #map1}, {transform_indices = #map1}, {transform_indices = #map}]} {
    %mul3A = arith.constant 16 : i32
    %mul3A_0 = arith.muli %arg0, %mul3A : i32
    %add3A = arith.addi %mul3A_0, %arg1 : i32
    "tpu.region"() ({
      %run_scoped3A = tpu.sem_alloc : memref<!tpu.dma_semaphore, #tpu.memory_space<semaphore_mem>>
      %dma_start3A = arith.constant 0 : i32
      %dma_start3A_15 = arith.constant 0 : i32
      %dma_start3A_16 = tpu.memref_slice %arg2[%add3A, %dma_start3A, %dma_start3A_15] : memref<32x79x128xi32, #tpu.memory_space<hbm>> -> memref<1x79x128xi32, #tpu.memory_space<hbm>>
      %dma_start3A_17 = tpu.memref_squeeze %dma_start3A_16 : memref<1x79x128xi32, #tpu.memory_space<hbm>> -> memref<79x128xi32, #tpu.memory_space<hbm>>
      %dma_start3A_18 = arith.constant 0 : i32
      %dma_start3A_19 = arith.constant 0 : i32
      %dma_start3A_20 = tpu.memref_slice %arg2[%add3A, %dma_start3A_18, %dma_start3A_19] : memref<32x79x128xi32, #tpu.memory_space<hbm>> -> memref<1x79x128xi32, #tpu.memory_space<hbm>>
      %dma_start3A_21 = tpu.memref_squeeze %dma_start3A_20 : memref<1x79x128xi32, #tpu.memory_space<hbm>> -> memref<79x128xi32, #tpu.memory_space<hbm>>
      tpu.enqueue_dma source(%dma_start3A_21 : memref<79x128xi32, #tpu.memory_space<hbm>>) target(%arg6 : memref<79x128xi32, #tpu.memory_space<vmem>>) target_semaphore(%run_scoped3A : memref<!tpu.dma_semaphore, #tpu.memory_space<semaphore_mem>>)
      %dma_wait3A = arith.constant 0 : i32
      %dma_wait3A_22 = arith.constant 0 : i32
      %dma_wait3A_23 = tpu.memref_slice %arg2[%add3A, %dma_wait3A, %dma_wait3A_22] : memref<32x79x128xi32, #tpu.memory_space<hbm>> -> memref<1x79x128xi32, #tpu.memory_space<hbm>>
      %dma_wait3A_24 = tpu.memref_squeeze %dma_wait3A_23 : memref<1x79x128xi32, #tpu.memory_space<hbm>> -> memref<79x128xi32, #tpu.memory_space<hbm>>
      %dma_wait3A_25 = arith.constant 0 : i32
      %dma_wait3A_26 = arith.constant 0 : i32
      %dma_wait3A_27 = tpu.memref_slice %arg2[%add3A, %dma_wait3A_25, %dma_wait3A_26] : memref<32x79x128xi32, #tpu.memory_space<hbm>> -> memref<1x79x128xi32, #tpu.memory_space<hbm>>
      %dma_wait3A_28 = tpu.memref_squeeze %dma_wait3A_27 : memref<1x79x128xi32, #tpu.memory_space<hbm>> -> memref<79x128xi32, #tpu.memory_space<hbm>>
      tpu.wait_dma2 semaphore(%run_scoped3A : memref<!tpu.dma_semaphore, #tpu.memory_space<semaphore_mem>>) src(%dma_wait3A_28 : memref<79x128xi32, #tpu.memory_space<hbm>>) dst(%arg6 : memref<79x128xi32, #tpu.memory_space<vmem>>)
      tpu.yield
    }) : () -> ()
    "tpu.region"() ({
      %run_scoped3A = tpu.sem_alloc : memref<!tpu.dma_semaphore, #tpu.memory_space<semaphore_mem>>
      tpu.enqueue_dma source(%arg3 : memref<128x128xf32, #tpu.memory_space<hbm>>) target(%arg7 : memref<128x128xf32, #tpu.memory_space<vmem>>) target_semaphore(%run_scoped3A : memref<!tpu.dma_semaphore, #tpu.memory_space<semaphore_mem>>)
      tpu.wait_dma2 semaphore(%run_scoped3A : memref<!tpu.dma_semaphore, #tpu.memory_space<semaphore_mem>>) src(%arg3 : memref<128x128xf32, #tpu.memory_space<hbm>>) dst(%arg7 : memref<128x128xf32, #tpu.memory_space<vmem>>)
      tpu.yield
    }) : () -> ()
    %mul3A_1 = arith.constant 640 : i32
    %mul3A_2 = arith.muli %arg1, %mul3A_1 : i32
    %mul3A_3 = arith.constant 640 : i32
    %mul3A_4 = arith.muli %arg1, %mul3A_3 : i32
    "tpu.region"() ({
      %run_scoped3A = tpu.sem_alloc : memref<!tpu.dma_semaphore, #tpu.memory_space<semaphore_mem>>
      %dma_start3A = arith.constant 0 : i32
      %dma_start3A_15 = tpu.memref_slice %arg8[%mul3A_4, %dma_start3A] : memref<10240x128xf32, #tpu.memory_space<vmem_shared>> -> memref<640x128xf32, #tpu.memory_space<vmem_shared>>
      %dma_start3A_16 = arith.constant 0 : i32
      %dma_start3A_17 = tpu.memref_slice %arg4[%mul3A_2, %dma_start3A_16] : memref<10240x128xf32, #tpu.memory_space<hbm>> -> memref<640x128xf32, #tpu.memory_space<hbm>>
      tpu.enqueue_dma source(%dma_start3A_17 : memref<640x128xf32, #tpu.memory_space<hbm>>) target(%dma_start3A_15 : memref<640x128xf32, #tpu.memory_space<vmem_shared>>) target_semaphore(%run_scoped3A : memref<!tpu.dma_semaphore, #tpu.memory_space<semaphore_mem>>)
      %dma_wait3A = arith.constant 0 : i32
      %dma_wait3A_18 = tpu.memref_slice %arg8[%mul3A_4, %dma_wait3A] : memref<10240x128xf32, #tpu.memory_space<vmem_shared>> -> memref<640x128xf32, #tpu.memory_space<vmem_shared>>
      %dma_wait3A_19 = arith.constant 0 : i32
      %dma_wait3A_20 = tpu.memref_slice %arg4[%mul3A_2, %dma_wait3A_19] : memref<10240x128xf32, #tpu.memory_space<hbm>> -> memref<640x128xf32, #tpu.memory_space<hbm>>
      tpu.wait_dma2 semaphore(%run_scoped3A : memref<!tpu.dma_semaphore, #tpu.memory_space<semaphore_mem>>) src(%dma_wait3A_20 : memref<640x128xf32, #tpu.memory_space<hbm>>) dst(%dma_wait3A_18 : memref<640x128xf32, #tpu.memory_space<vmem_shared>>)
      tpu.yield
    }) : () -> ()
    %barrier3A = arith.constant 0 : index
    tpu.barrier barrier_id(%barrier3A)
    %scan3A = arith.constant 0 : i32
    %scan3A_5 = arith.constant 0 : i32
    %scan3A_6 = arith.constant 79 : i32
    %scan3A_7 = arith.addi %scan3A_5, %scan3A_6 : i32
    %scan3A_8 = arith.constant 1 : i32
    scf.for %scan3A_15 = %scan3A_5 to %scan3A_7 step %scan3A_8  : i32 {
      "tpu.region"() ({
        %run_scoped3A = tpu.sem_alloc : memref<!tpu.dma_semaphore, #tpu.memory_space<semaphore_mem>>
        %dma_start3A = arith.constant 0 : i32
        %dma_start3A_16 = tpu.memref_slice %arg6[%scan3A_15, %dma_start3A] : memref<79x128xi32, #tpu.memory_space<vmem>> -> memref<1x128xi32, #tpu.memory_space<vmem>>
        %dma_start3A_17 = tpu.memref_squeeze %dma_start3A_16 : memref<1x128xi32, #tpu.memory_space<vmem>> -> memref<128xi32, #tpu.memory_space<vmem>>
        %dma_start3A_18 = arith.constant 0 : i32
        %dma_start3A_19 = arith.constant 0 : i32
        %dma_start3A_20 = tpu.memref_slice %arg8[%dma_start3A_18, %dma_start3A_19] : memref<10240x128xf32, #tpu.memory_space<vmem_shared>> -> memref<10240x128xf32, #tpu.memory_space<vmem_shared>>
        tpu.enqueue_indirect_dma source(%arg7 : memref<128x128xf32, #tpu.memory_space<vmem>>) target(%dma_start3A_20 : memref<10240x128xf32, #tpu.memory_space<vmem_shared>>) offsets(%dma_start3A_17 : memref<128xi32, #tpu.memory_space<vmem>>) semaphore(%run_scoped3A : memref<!tpu.dma_semaphore, #tpu.memory_space<semaphore_mem>>) {add = true}
        %dma_wait3A = arith.constant 0 : i32
        %dma_wait3A_21 = tpu.memref_slice %arg6[%scan3A_15, %dma_wait3A] : memref<79x128xi32, #tpu.memory_space<vmem>> -> memref<1x128xi32, #tpu.memory_space<vmem>>
        %dma_wait3A_22 = tpu.memref_squeeze %dma_wait3A_21 : memref<1x128xi32, #tpu.memory_space<vmem>> -> memref<128xi32, #tpu.memory_space<vmem>>
        %dma_wait3A_23 = arith.constant 0 : i32
        %dma_wait3A_24 = arith.constant 0 : i32
        %dma_wait3A_25 = tpu.memref_slice %arg8[%dma_wait3A_23, %dma_wait3A_24] : memref<10240x128xf32, #tpu.memory_space<vmem_shared>> -> memref<10240x128xf32, #tpu.memory_space<vmem_shared>>
        tpu.wait_indirect_dma semaphore(%run_scoped3A : memref<!tpu.dma_semaphore, #tpu.memory_space<semaphore_mem>>) src(%arg7 : memref<128x128xf32, #tpu.memory_space<vmem>>) dst(%dma_wait3A_25 : memref<10240x128xf32, #tpu.memory_space<vmem_shared>>)
        tpu.yield
      }) : () -> ()
    }
    %scan3A_9 = arith.constant 79 : i32
    %barrier3A_10 = arith.constant 0 : index
    tpu.barrier barrier_id(%barrier3A_10)
    %mul3A_11 = arith.constant 640 : i32
    %mul3A_12 = arith.muli %arg1, %mul3A_11 : i32
    %mul3A_13 = arith.constant 640 : i32
    %mul3A_14 = arith.muli %arg1, %mul3A_13 : i32
    "tpu.region"() ({
      %run_scoped3A = tpu.sem_alloc : memref<!tpu.dma_semaphore, #tpu.memory_space<semaphore_mem>>
      %dma_start3A = arith.constant 0 : i32
      %dma_start3A_15 = tpu.memref_slice %arg5[%arg0, %mul3A_14, %dma_start3A] : memref<2x10240x128xf32, #tpu.memory_space<hbm>> -> memref<1x640x128xf32, #tpu.memory_space<hbm>>
      %dma_start3A_16 = tpu.memref_squeeze %dma_start3A_15 : memref<1x640x128xf32, #tpu.memory_space<hbm>> -> memref<640x128xf32, #tpu.memory_space<hbm>>
      %dma_start3A_17 = arith.constant 0 : i32
      %dma_start3A_18 = tpu.memref_slice %arg8[%mul3A_12, %dma_start3A_17] : memref<10240x128xf32, #tpu.memory_space<vmem_shared>> -> memref<640x128xf32, #tpu.memory_space<vmem_shared>>
      tpu.enqueue_dma source(%dma_start3A_18 : memref<640x128xf32, #tpu.memory_space<vmem_shared>>) target(%dma_start3A_16 : memref<640x128xf32, #tpu.memory_space<hbm>>) target_semaphore(%run_scoped3A : memref<!tpu.dma_semaphore, #tpu.memory_space<semaphore_mem>>)
      %dma_wait3A = arith.constant 0 : i32
      %dma_wait3A_19 = tpu.memref_slice %arg5[%arg0, %mul3A_14, %dma_wait3A] : memref<2x10240x128xf32, #tpu.memory_space<hbm>> -> memref<1x640x128xf32, #tpu.memory_space<hbm>>
      %dma_wait3A_20 = tpu.memref_squeeze %dma_wait3A_19 : memref<1x640x128xf32, #tpu.memory_space<hbm>> -> memref<640x128xf32, #tpu.memory_space<hbm>>
      %dma_wait3A_21 = arith.constant 0 : i32
      %dma_wait3A_22 = tpu.memref_slice %arg8[%mul3A_12, %dma_wait3A_21] : memref<10240x128xf32, #tpu.memory_space<vmem_shared>> -> memref<640x128xf32, #tpu.memory_space<vmem_shared>>
      tpu.wait_dma2 semaphore(%run_scoped3A : memref<!tpu.dma_semaphore, #tpu.memory_space<semaphore_mem>>) src(%dma_wait3A_22 : memref<640x128xf32, #tpu.memory_space<vmem_shared>>) dst(%dma_wait3A_20 : memref<640x128xf32, #tpu.memory_space<hbm>>)
      tpu.yield
    }) : () -> ()
    return
  }
}

#map = affine_map<(d0, d1) -> (0, 0)>
#map1 = affine_map<(d0, d1) -> (0, 0, 0)>
module attributes {stable_mosaic.version = 14 : i64} {
  func.func @agg_k(%arg0: i32, %arg1: i32, %arg2: memref<10240x128xf32, #tpu.memory_space<hbm>>, %arg3: memref<32x79x128xi32, #tpu.memory_space<hbm>>, %arg4: memref<32x79x128xi32, #tpu.memory_space<hbm>>, %arg5: memref<10240x128xf32, #tpu.memory_space<hbm>>, %arg6: memref<2x10240x128xf32, #tpu.memory_space<hbm>>, %arg7: memref<79x128xi32, #tpu.memory_space<vmem>>, %arg8: memref<79x128xi32, #tpu.memory_space<vmem>>, %arg9: memref<128x128xf32, #tpu.memory_space<vmem>>, %arg10: memref<10240x128xf32, #tpu.memory_space<vmem_shared>>, %arg11: memref<!tpu.dma_semaphore, #tpu.memory_space<semaphore_mem>>) attributes {dimension_semantics = [#tpu.dimension_semantics<core_parallel>, #tpu.dimension_semantics<subcore_parallel>], iteration_bounds = array<i64: 2, 16>, scalar_prefetch = 0 : i64, scratch_operands = 5 : i64, tpu.core_type = #tpu.core_type<sc_vector_subcore>, window_params = [{transform_indices = #map}, {transform_indices = #map1}, {transform_indices = #map1}, {transform_indices = #map}, {transform_indices = #map1}]} {
    %mul3A = arith.constant 16 : i32
    %mul3A_0 = arith.muli %arg0, %mul3A : i32
    %add3A = arith.addi %mul3A_0, %arg1 : i32
    "tpu.region"() ({
      %run_scoped3A = tpu.sem_alloc : memref<!tpu.dma_semaphore, #tpu.memory_space<semaphore_mem>>
      %dma_start3A = arith.constant 0 : i32
      %dma_start3A_15 = arith.constant 0 : i32
      %dma_start3A_16 = tpu.memref_slice %arg3[%add3A, %dma_start3A, %dma_start3A_15] : memref<32x79x128xi32, #tpu.memory_space<hbm>> -> memref<1x79x128xi32, #tpu.memory_space<hbm>>
      %dma_start3A_17 = tpu.memref_squeeze %dma_start3A_16 : memref<1x79x128xi32, #tpu.memory_space<hbm>> -> memref<79x128xi32, #tpu.memory_space<hbm>>
      %dma_start3A_18 = arith.constant 0 : i32
      %dma_start3A_19 = arith.constant 0 : i32
      %dma_start3A_20 = tpu.memref_slice %arg3[%add3A, %dma_start3A_18, %dma_start3A_19] : memref<32x79x128xi32, #tpu.memory_space<hbm>> -> memref<1x79x128xi32, #tpu.memory_space<hbm>>
      %dma_start3A_21 = tpu.memref_squeeze %dma_start3A_20 : memref<1x79x128xi32, #tpu.memory_space<hbm>> -> memref<79x128xi32, #tpu.memory_space<hbm>>
      tpu.enqueue_dma source(%dma_start3A_21 : memref<79x128xi32, #tpu.memory_space<hbm>>) target(%arg7 : memref<79x128xi32, #tpu.memory_space<vmem>>) target_semaphore(%run_scoped3A : memref<!tpu.dma_semaphore, #tpu.memory_space<semaphore_mem>>)
      %dma_wait3A = arith.constant 0 : i32
      %dma_wait3A_22 = arith.constant 0 : i32
      %dma_wait3A_23 = tpu.memref_slice %arg3[%add3A, %dma_wait3A, %dma_wait3A_22] : memref<32x79x128xi32, #tpu.memory_space<hbm>> -> memref<1x79x128xi32, #tpu.memory_space<hbm>>
      %dma_wait3A_24 = tpu.memref_squeeze %dma_wait3A_23 : memref<1x79x128xi32, #tpu.memory_space<hbm>> -> memref<79x128xi32, #tpu.memory_space<hbm>>
      %dma_wait3A_25 = arith.constant 0 : i32
      %dma_wait3A_26 = arith.constant 0 : i32
      %dma_wait3A_27 = tpu.memref_slice %arg3[%add3A, %dma_wait3A_25, %dma_wait3A_26] : memref<32x79x128xi32, #tpu.memory_space<hbm>> -> memref<1x79x128xi32, #tpu.memory_space<hbm>>
      %dma_wait3A_28 = tpu.memref_squeeze %dma_wait3A_27 : memref<1x79x128xi32, #tpu.memory_space<hbm>> -> memref<79x128xi32, #tpu.memory_space<hbm>>
      tpu.wait_dma2 semaphore(%run_scoped3A : memref<!tpu.dma_semaphore, #tpu.memory_space<semaphore_mem>>) src(%dma_wait3A_28 : memref<79x128xi32, #tpu.memory_space<hbm>>) dst(%arg7 : memref<79x128xi32, #tpu.memory_space<vmem>>)
      tpu.yield
    }) : () -> ()
    "tpu.region"() ({
      %run_scoped3A = tpu.sem_alloc : memref<!tpu.dma_semaphore, #tpu.memory_space<semaphore_mem>>
      %dma_start3A = arith.constant 0 : i32
      %dma_start3A_15 = arith.constant 0 : i32
      %dma_start3A_16 = tpu.memref_slice %arg4[%add3A, %dma_start3A, %dma_start3A_15] : memref<32x79x128xi32, #tpu.memory_space<hbm>> -> memref<1x79x128xi32, #tpu.memory_space<hbm>>
      %dma_start3A_17 = tpu.memref_squeeze %dma_start3A_16 : memref<1x79x128xi32, #tpu.memory_space<hbm>> -> memref<79x128xi32, #tpu.memory_space<hbm>>
      %dma_start3A_18 = arith.constant 0 : i32
      %dma_start3A_19 = arith.constant 0 : i32
      %dma_start3A_20 = tpu.memref_slice %arg4[%add3A, %dma_start3A_18, %dma_start3A_19] : memref<32x79x128xi32, #tpu.memory_space<hbm>> -> memref<1x79x128xi32, #tpu.memory_space<hbm>>
      %dma_start3A_21 = tpu.memref_squeeze %dma_start3A_20 : memref<1x79x128xi32, #tpu.memory_space<hbm>> -> memref<79x128xi32, #tpu.memory_space<hbm>>
      tpu.enqueue_dma source(%dma_start3A_21 : memref<79x128xi32, #tpu.memory_space<hbm>>) target(%arg8 : memref<79x128xi32, #tpu.memory_space<vmem>>) target_semaphore(%run_scoped3A : memref<!tpu.dma_semaphore, #tpu.memory_space<semaphore_mem>>)
      %dma_wait3A = arith.constant 0 : i32
      %dma_wait3A_22 = arith.constant 0 : i32
      %dma_wait3A_23 = tpu.memref_slice %arg4[%add3A, %dma_wait3A, %dma_wait3A_22] : memref<32x79x128xi32, #tpu.memory_space<hbm>> -> memref<1x79x128xi32, #tpu.memory_space<hbm>>
      %dma_wait3A_24 = tpu.memref_squeeze %dma_wait3A_23 : memref<1x79x128xi32, #tpu.memory_space<hbm>> -> memref<79x128xi32, #tpu.memory_space<hbm>>
      %dma_wait3A_25 = arith.constant 0 : i32
      %dma_wait3A_26 = arith.constant 0 : i32
      %dma_wait3A_27 = tpu.memref_slice %arg4[%add3A, %dma_wait3A_25, %dma_wait3A_26] : memref<32x79x128xi32, #tpu.memory_space<hbm>> -> memref<1x79x128xi32, #tpu.memory_space<hbm>>
      %dma_wait3A_28 = tpu.memref_squeeze %dma_wait3A_27 : memref<1x79x128xi32, #tpu.memory_space<hbm>> -> memref<79x128xi32, #tpu.memory_space<hbm>>
      tpu.wait_dma2 semaphore(%run_scoped3A : memref<!tpu.dma_semaphore, #tpu.memory_space<semaphore_mem>>) src(%dma_wait3A_28 : memref<79x128xi32, #tpu.memory_space<hbm>>) dst(%arg8 : memref<79x128xi32, #tpu.memory_space<vmem>>)
      tpu.yield
    }) : () -> ()
    %mul3A_1 = arith.constant 640 : i32
    %mul3A_2 = arith.muli %arg1, %mul3A_1 : i32
    %mul3A_3 = arith.constant 640 : i32
    %mul3A_4 = arith.muli %arg1, %mul3A_3 : i32
    "tpu.region"() ({
      %run_scoped3A = tpu.sem_alloc : memref<!tpu.dma_semaphore, #tpu.memory_space<semaphore_mem>>
      %dma_start3A = arith.constant 0 : i32
      %dma_start3A_15 = tpu.memref_slice %arg10[%mul3A_4, %dma_start3A] : memref<10240x128xf32, #tpu.memory_space<vmem_shared>> -> memref<640x128xf32, #tpu.memory_space<vmem_shared>>
      %dma_start3A_16 = arith.constant 0 : i32
      %dma_start3A_17 = tpu.memref_slice %arg5[%mul3A_2, %dma_start3A_16] : memref<10240x128xf32, #tpu.memory_space<hbm>> -> memref<640x128xf32, #tpu.memory_space<hbm>>
      tpu.enqueue_dma source(%dma_start3A_17 : memref<640x128xf32, #tpu.memory_space<hbm>>) target(%dma_start3A_15 : memref<640x128xf32, #tpu.memory_space<vmem_shared>>) target_semaphore(%run_scoped3A : memref<!tpu.dma_semaphore, #tpu.memory_space<semaphore_mem>>)
      %dma_wait3A = arith.constant 0 : i32
      %dma_wait3A_18 = tpu.memref_slice %arg10[%mul3A_4, %dma_wait3A] : memref<10240x128xf32, #tpu.memory_space<vmem_shared>> -> memref<640x128xf32, #tpu.memory_space<vmem_shared>>
      %dma_wait3A_19 = arith.constant 0 : i32
      %dma_wait3A_20 = tpu.memref_slice %arg5[%mul3A_2, %dma_wait3A_19] : memref<10240x128xf32, #tpu.memory_space<hbm>> -> memref<640x128xf32, #tpu.memory_space<hbm>>
      tpu.wait_dma2 semaphore(%run_scoped3A : memref<!tpu.dma_semaphore, #tpu.memory_space<semaphore_mem>>) src(%dma_wait3A_20 : memref<640x128xf32, #tpu.memory_space<hbm>>) dst(%dma_wait3A_18 : memref<640x128xf32, #tpu.memory_space<vmem_shared>>)
      tpu.yield
    }) : () -> ()
    %barrier3A = arith.constant 0 : index
    tpu.barrier barrier_id(%barrier3A)
    %scan3A = arith.constant 0 : i32
    %scan3A_5 = arith.constant 0 : i32
    %scan3A_6 = arith.constant 79 : i32
    %scan3A_7 = arith.addi %scan3A_5, %scan3A_6 : i32
    %scan3A_8 = arith.constant 1 : i32
    scf.for %scan3A_15 = %scan3A_5 to %scan3A_7 step %scan3A_8  : i32 {
      %dma_start3A = arith.constant 0 : i32
      %dma_start3A_16 = tpu.memref_slice %arg7[%scan3A_15, %dma_start3A] : memref<79x128xi32, #tpu.memory_space<vmem>> -> memref<1x128xi32, #tpu.memory_space<vmem>>
      %dma_start3A_17 = tpu.memref_squeeze %dma_start3A_16 : memref<1x128xi32, #tpu.memory_space<vmem>> -> memref<128xi32, #tpu.memory_space<vmem>>
      %dma_start3A_18 = arith.constant 0 : i32
      %dma_start3A_19 = arith.constant 0 : i32
      %dma_start3A_20 = tpu.memref_slice %arg2[%dma_start3A_18, %dma_start3A_19] : memref<10240x128xf32, #tpu.memory_space<hbm>> -> memref<10240x128xf32, #tpu.memory_space<hbm>>
      tpu.enqueue_indirect_dma source(%dma_start3A_20 : memref<10240x128xf32, #tpu.memory_space<hbm>>) target(%arg9 : memref<128x128xf32, #tpu.memory_space<vmem>>) offsets(%dma_start3A_17 : memref<128xi32, #tpu.memory_space<vmem>>) semaphore(%arg11 : memref<!tpu.dma_semaphore, #tpu.memory_space<semaphore_mem>>)
      %dma_wait3A = arith.constant 0 : i32
      %dma_wait3A_21 = tpu.memref_slice %arg7[%scan3A_15, %dma_wait3A] : memref<79x128xi32, #tpu.memory_space<vmem>> -> memref<1x128xi32, #tpu.memory_space<vmem>>
      %dma_wait3A_22 = tpu.memref_squeeze %dma_wait3A_21 : memref<1x128xi32, #tpu.memory_space<vmem>> -> memref<128xi32, #tpu.memory_space<vmem>>
      %dma_wait3A_23 = arith.constant 0 : i32
      %dma_wait3A_24 = arith.constant 0 : i32
      %dma_wait3A_25 = tpu.memref_slice %arg2[%dma_wait3A_23, %dma_wait3A_24] : memref<10240x128xf32, #tpu.memory_space<hbm>> -> memref<10240x128xf32, #tpu.memory_space<hbm>>
      tpu.wait_indirect_dma semaphore(%arg11 : memref<!tpu.dma_semaphore, #tpu.memory_space<semaphore_mem>>) src(%dma_wait3A_25 : memref<10240x128xf32, #tpu.memory_space<hbm>>) dst(%arg9 : memref<128x128xf32, #tpu.memory_space<vmem>>)
      "tpu.region"() ({
        %run_scoped3A = tpu.sem_alloc : memref<!tpu.dma_semaphore, #tpu.memory_space<semaphore_mem>>
        %dma_start3A_26 = arith.constant 0 : i32
        %dma_start3A_27 = tpu.memref_slice %arg8[%scan3A_15, %dma_start3A_26] : memref<79x128xi32, #tpu.memory_space<vmem>> -> memref<1x128xi32, #tpu.memory_space<vmem>>
        %dma_start3A_28 = tpu.memref_squeeze %dma_start3A_27 : memref<1x128xi32, #tpu.memory_space<vmem>> -> memref<128xi32, #tpu.memory_space<vmem>>
        %dma_start3A_29 = arith.constant 0 : i32
        %dma_start3A_30 = arith.constant 0 : i32
        %dma_start3A_31 = tpu.memref_slice %arg10[%dma_start3A_29, %dma_start3A_30] : memref<10240x128xf32, #tpu.memory_space<vmem_shared>> -> memref<10240x128xf32, #tpu.memory_space<vmem_shared>>
        tpu.enqueue_indirect_dma source(%arg9 : memref<128x128xf32, #tpu.memory_space<vmem>>) target(%dma_start3A_31 : memref<10240x128xf32, #tpu.memory_space<vmem_shared>>) offsets(%dma_start3A_28 : memref<128xi32, #tpu.memory_space<vmem>>) semaphore(%run_scoped3A : memref<!tpu.dma_semaphore, #tpu.memory_space<semaphore_mem>>) {add = true}
        %dma_wait3A_32 = arith.constant 0 : i32
        %dma_wait3A_33 = tpu.memref_slice %arg8[%scan3A_15, %dma_wait3A_32] : memref<79x128xi32, #tpu.memory_space<vmem>> -> memref<1x128xi32, #tpu.memory_space<vmem>>
        %dma_wait3A_34 = tpu.memref_squeeze %dma_wait3A_33 : memref<1x128xi32, #tpu.memory_space<vmem>> -> memref<128xi32, #tpu.memory_space<vmem>>
        %dma_wait3A_35 = arith.constant 0 : i32
        %dma_wait3A_36 = arith.constant 0 : i32
        %dma_wait3A_37 = tpu.memref_slice %arg10[%dma_wait3A_35, %dma_wait3A_36] : memref<10240x128xf32, #tpu.memory_space<vmem_shared>> -> memref<10240x128xf32, #tpu.memory_space<vmem_shared>>
        tpu.wait_indirect_dma semaphore(%run_scoped3A : memref<!tpu.dma_semaphore, #tpu.memory_space<semaphore_mem>>) src(%arg9 : memref<128x128xf32, #tpu.memory_space<vmem>>) dst(%dma_wait3A_37 : memref<10240x128xf32, #tpu.memory_space<vmem_shared>>)
        tpu.yield
      }) : () -> ()
    }
    %scan3A_9 = arith.constant 79 : i32
    %barrier3A_10 = arith.constant 0 : index
    tpu.barrier barrier_id(%barrier3A_10)
    %mul3A_11 = arith.constant 640 : i32
    %mul3A_12 = arith.muli %arg1, %mul3A_11 : i32
    %mul3A_13 = arith.constant 640 : i32
    %mul3A_14 = arith.muli %arg1, %mul3A_13 : i32
    "tpu.region"() ({
      %run_scoped3A = tpu.sem_alloc : memref<!tpu.dma_semaphore, #tpu.memory_space<semaphore_mem>>
      %dma_start3A = arith.constant 0 : i32
      %dma_start3A_15 = tpu.memref_slice %arg6[%arg0, %mul3A_14, %dma_start3A] : memref<2x10240x128xf32, #tpu.memory_space<hbm>> -> memref<1x640x128xf32, #tpu.memory_space<hbm>>
      %dma_start3A_16 = tpu.memref_squeeze %dma_start3A_15 : memref<1x640x128xf32, #tpu.memory_space<hbm>> -> memref<640x128xf32, #tpu.memory_space<hbm>>
      %dma_start3A_17 = arith.constant 0 : i32
      %dma_start3A_18 = tpu.memref_slice %arg10[%mul3A_12, %dma_start3A_17] : memref<10240x128xf32, #tpu.memory_space<vmem_shared>> -> memref<640x128xf32, #tpu.memory_space<vmem_shared>>
      tpu.enqueue_dma source(%dma_start3A_18 : memref<640x128xf32, #tpu.memory_space<vmem_shared>>) target(%dma_start3A_16 : memref<640x128xf32, #tpu.memory_space<hbm>>) target_semaphore(%run_scoped3A : memref<!tpu.dma_semaphore, #tpu.memory_space<semaphore_mem>>)
      %dma_wait3A = arith.constant 0 : i32
      %dma_wait3A_19 = tpu.memref_slice %arg6[%arg0, %mul3A_14, %dma_wait3A] : memref<2x10240x128xf32, #tpu.memory_space<hbm>> -> memref<1x640x128xf32, #tpu.memory_space<hbm>>
      %dma_wait3A_20 = tpu.memref_squeeze %dma_wait3A_19 : memref<1x640x128xf32, #tpu.memory_space<hbm>> -> memref<640x128xf32, #tpu.memory_space<hbm>>
      %dma_wait3A_21 = arith.constant 0 : i32
      %dma_wait3A_22 = tpu.memref_slice %arg10[%mul3A_12, %dma_wait3A_21] : memref<10240x128xf32, #tpu.memory_space<vmem_shared>> -> memref<640x128xf32, #tpu.memory_space<vmem_shared>>
      tpu.wait_dma2 semaphore(%run_scoped3A : memref<!tpu.dma_semaphore, #tpu.memory_space<semaphore_mem>>) src(%dma_wait3A_22 : memref<640x128xf32, #tpu.memory_space<vmem_shared>>) dst(%dma_wait3A_20 : memref<640x128xf32, #tpu.memory_space<hbm>>)
      tpu.yield
    }) : () -> ()
    return
  }
}

#map = affine_map<(d0, d1) -> (0, 0)>
#map1 = affine_map<(d0, d1) -> (0, 0, 0)>
module attributes {stable_mosaic.version = 14 : i64} {
  func.func @agg_k(%arg0: i32, %arg1: i32, %arg2: memref<10240x128xf32, #tpu.memory_space<hbm>>, %arg3: memref<32x79x128xi32, #tpu.memory_space<hbm>>, %arg4: memref<32x79x128xi32, #tpu.memory_space<hbm>>, %arg5: memref<10240x128xf32, #tpu.memory_space<hbm>>, %arg6: memref<2x10240x128xf32, #tpu.memory_space<hbm>>, %arg7: memref<79x128xi32, #tpu.memory_space<vmem>>, %arg8: memref<79x128xi32, #tpu.memory_space<vmem>>, %arg9: memref<128x128xf32, #tpu.memory_space<vmem>>, %arg10: memref<10240x128xf32, #tpu.memory_space<vmem_shared>>, %arg11: memref<!tpu.dma_semaphore, #tpu.memory_space<semaphore_mem>>) attributes {dimension_semantics = [#tpu.dimension_semantics<core_parallel>, #tpu.dimension_semantics<subcore_parallel>], iteration_bounds = array<i64: 2, 16>, scalar_prefetch = 0 : i64, scratch_operands = 5 : i64, tpu.core_type = #tpu.core_type<sc_vector_subcore>, window_params = [{transform_indices = #map}, {transform_indices = #map1}, {transform_indices = #map1}, {transform_indices = #map}, {transform_indices = #map1}]} {
    %mul3A = arith.constant 16 : i32
    %mul3A_0 = arith.muli %arg0, %mul3A : i32
    %add3A = arith.addi %mul3A_0, %arg1 : i32
    "tpu.region"() ({
      %run_scoped3A = tpu.sem_alloc : memref<!tpu.dma_semaphore, #tpu.memory_space<semaphore_mem>>
      %dma_start3A = arith.constant 0 : i32
      %dma_start3A_15 = arith.constant 0 : i32
      %dma_start3A_16 = tpu.memref_slice %arg3[%add3A, %dma_start3A, %dma_start3A_15] : memref<32x79x128xi32, #tpu.memory_space<hbm>> -> memref<1x79x128xi32, #tpu.memory_space<hbm>>
      %dma_start3A_17 = tpu.memref_squeeze %dma_start3A_16 : memref<1x79x128xi32, #tpu.memory_space<hbm>> -> memref<79x128xi32, #tpu.memory_space<hbm>>
      %dma_start3A_18 = arith.constant 0 : i32
      %dma_start3A_19 = arith.constant 0 : i32
      %dma_start3A_20 = tpu.memref_slice %arg3[%add3A, %dma_start3A_18, %dma_start3A_19] : memref<32x79x128xi32, #tpu.memory_space<hbm>> -> memref<1x79x128xi32, #tpu.memory_space<hbm>>
      %dma_start3A_21 = tpu.memref_squeeze %dma_start3A_20 : memref<1x79x128xi32, #tpu.memory_space<hbm>> -> memref<79x128xi32, #tpu.memory_space<hbm>>
      tpu.enqueue_dma source(%dma_start3A_21 : memref<79x128xi32, #tpu.memory_space<hbm>>) target(%arg7 : memref<79x128xi32, #tpu.memory_space<vmem>>) target_semaphore(%run_scoped3A : memref<!tpu.dma_semaphore, #tpu.memory_space<semaphore_mem>>)
      %dma_wait3A = arith.constant 0 : i32
      %dma_wait3A_22 = arith.constant 0 : i32
      %dma_wait3A_23 = tpu.memref_slice %arg3[%add3A, %dma_wait3A, %dma_wait3A_22] : memref<32x79x128xi32, #tpu.memory_space<hbm>> -> memref<1x79x128xi32, #tpu.memory_space<hbm>>
      %dma_wait3A_24 = tpu.memref_squeeze %dma_wait3A_23 : memref<1x79x128xi32, #tpu.memory_space<hbm>> -> memref<79x128xi32, #tpu.memory_space<hbm>>
      %dma_wait3A_25 = arith.constant 0 : i32
      %dma_wait3A_26 = arith.constant 0 : i32
      %dma_wait3A_27 = tpu.memref_slice %arg3[%add3A, %dma_wait3A_25, %dma_wait3A_26] : memref<32x79x128xi32, #tpu.memory_space<hbm>> -> memref<1x79x128xi32, #tpu.memory_space<hbm>>
      %dma_wait3A_28 = tpu.memref_squeeze %dma_wait3A_27 : memref<1x79x128xi32, #tpu.memory_space<hbm>> -> memref<79x128xi32, #tpu.memory_space<hbm>>
      tpu.wait_dma2 semaphore(%run_scoped3A : memref<!tpu.dma_semaphore, #tpu.memory_space<semaphore_mem>>) src(%dma_wait3A_28 : memref<79x128xi32, #tpu.memory_space<hbm>>) dst(%arg7 : memref<79x128xi32, #tpu.memory_space<vmem>>)
      tpu.yield
    }) : () -> ()
    "tpu.region"() ({
      %run_scoped3A = tpu.sem_alloc : memref<!tpu.dma_semaphore, #tpu.memory_space<semaphore_mem>>
      %dma_start3A = arith.constant 0 : i32
      %dma_start3A_15 = arith.constant 0 : i32
      %dma_start3A_16 = tpu.memref_slice %arg4[%add3A, %dma_start3A, %dma_start3A_15] : memref<32x79x128xi32, #tpu.memory_space<hbm>> -> memref<1x79x128xi32, #tpu.memory_space<hbm>>
      %dma_start3A_17 = tpu.memref_squeeze %dma_start3A_16 : memref<1x79x128xi32, #tpu.memory_space<hbm>> -> memref<79x128xi32, #tpu.memory_space<hbm>>
      %dma_start3A_18 = arith.constant 0 : i32
      %dma_start3A_19 = arith.constant 0 : i32
      %dma_start3A_20 = tpu.memref_slice %arg4[%add3A, %dma_start3A_18, %dma_start3A_19] : memref<32x79x128xi32, #tpu.memory_space<hbm>> -> memref<1x79x128xi32, #tpu.memory_space<hbm>>
      %dma_start3A_21 = tpu.memref_squeeze %dma_start3A_20 : memref<1x79x128xi32, #tpu.memory_space<hbm>> -> memref<79x128xi32, #tpu.memory_space<hbm>>
      tpu.enqueue_dma source(%dma_start3A_21 : memref<79x128xi32, #tpu.memory_space<hbm>>) target(%arg8 : memref<79x128xi32, #tpu.memory_space<vmem>>) target_semaphore(%run_scoped3A : memref<!tpu.dma_semaphore, #tpu.memory_space<semaphore_mem>>)
      %dma_wait3A = arith.constant 0 : i32
      %dma_wait3A_22 = arith.constant 0 : i32
      %dma_wait3A_23 = tpu.memref_slice %arg4[%add3A, %dma_wait3A, %dma_wait3A_22] : memref<32x79x128xi32, #tpu.memory_space<hbm>> -> memref<1x79x128xi32, #tpu.memory_space<hbm>>
      %dma_wait3A_24 = tpu.memref_squeeze %dma_wait3A_23 : memref<1x79x128xi32, #tpu.memory_space<hbm>> -> memref<79x128xi32, #tpu.memory_space<hbm>>
      %dma_wait3A_25 = arith.constant 0 : i32
      %dma_wait3A_26 = arith.constant 0 : i32
      %dma_wait3A_27 = tpu.memref_slice %arg4[%add3A, %dma_wait3A_25, %dma_wait3A_26] : memref<32x79x128xi32, #tpu.memory_space<hbm>> -> memref<1x79x128xi32, #tpu.memory_space<hbm>>
      %dma_wait3A_28 = tpu.memref_squeeze %dma_wait3A_27 : memref<1x79x128xi32, #tpu.memory_space<hbm>> -> memref<79x128xi32, #tpu.memory_space<hbm>>
      tpu.wait_dma2 semaphore(%run_scoped3A : memref<!tpu.dma_semaphore, #tpu.memory_space<semaphore_mem>>) src(%dma_wait3A_28 : memref<79x128xi32, #tpu.memory_space<hbm>>) dst(%arg8 : memref<79x128xi32, #tpu.memory_space<vmem>>)
      tpu.yield
    }) : () -> ()
    %mul3A_1 = arith.constant 640 : i32
    %mul3A_2 = arith.muli %arg1, %mul3A_1 : i32
    %mul3A_3 = arith.constant 640 : i32
    %mul3A_4 = arith.muli %arg1, %mul3A_3 : i32
    "tpu.region"() ({
      %run_scoped3A = tpu.sem_alloc : memref<!tpu.dma_semaphore, #tpu.memory_space<semaphore_mem>>
      %dma_start3A = arith.constant 0 : i32
      %dma_start3A_15 = tpu.memref_slice %arg10[%mul3A_4, %dma_start3A] : memref<10240x128xf32, #tpu.memory_space<vmem_shared>> -> memref<640x128xf32, #tpu.memory_space<vmem_shared>>
      %dma_start3A_16 = arith.constant 0 : i32
      %dma_start3A_17 = tpu.memref_slice %arg5[%mul3A_2, %dma_start3A_16] : memref<10240x128xf32, #tpu.memory_space<hbm>> -> memref<640x128xf32, #tpu.memory_space<hbm>>
      tpu.enqueue_dma source(%dma_start3A_17 : memref<640x128xf32, #tpu.memory_space<hbm>>) target(%dma_start3A_15 : memref<640x128xf32, #tpu.memory_space<vmem_shared>>) target_semaphore(%run_scoped3A : memref<!tpu.dma_semaphore, #tpu.memory_space<semaphore_mem>>)
      %dma_wait3A = arith.constant 0 : i32
      %dma_wait3A_18 = tpu.memref_slice %arg10[%mul3A_4, %dma_wait3A] : memref<10240x128xf32, #tpu.memory_space<vmem_shared>> -> memref<640x128xf32, #tpu.memory_space<vmem_shared>>
      %dma_wait3A_19 = arith.constant 0 : i32
      %dma_wait3A_20 = tpu.memref_slice %arg5[%mul3A_2, %dma_wait3A_19] : memref<10240x128xf32, #tpu.memory_space<hbm>> -> memref<640x128xf32, #tpu.memory_space<hbm>>
      tpu.wait_dma2 semaphore(%run_scoped3A : memref<!tpu.dma_semaphore, #tpu.memory_space<semaphore_mem>>) src(%dma_wait3A_20 : memref<640x128xf32, #tpu.memory_space<hbm>>) dst(%dma_wait3A_18 : memref<640x128xf32, #tpu.memory_space<vmem_shared>>)
      tpu.yield
    }) : () -> ()
    %barrier3A = arith.constant 0 : index
    tpu.barrier barrier_id(%barrier3A)
    %scan3A = arith.constant 0 : i32
    %scan3A_5 = arith.constant 0 : i32
    %scan3A_6 = arith.constant 79 : i32
    %scan3A_7 = arith.addi %scan3A_5, %scan3A_6 : i32
    %scan3A_8 = arith.constant 1 : i32
    scf.for %scan3A_15 = %scan3A_5 to %scan3A_7 step %scan3A_8  : i32 {
      %dma_start3A = arith.constant 0 : i32
      %dma_start3A_16 = tpu.memref_slice %arg7[%scan3A_15, %dma_start3A] : memref<79x128xi32, #tpu.memory_space<vmem>> -> memref<1x128xi32, #tpu.memory_space<vmem>>
      %dma_start3A_17 = tpu.memref_squeeze %dma_start3A_16 : memref<1x128xi32, #tpu.memory_space<vmem>> -> memref<128xi32, #tpu.memory_space<vmem>>
      %dma_start3A_18 = arith.constant 0 : i32
      %dma_start3A_19 = arith.constant 0 : i32
      %dma_start3A_20 = tpu.memref_slice %arg2[%dma_start3A_18, %dma_start3A_19] : memref<10240x128xf32, #tpu.memory_space<hbm>> -> memref<10240x128xf32, #tpu.memory_space<hbm>>
      tpu.enqueue_indirect_dma source(%dma_start3A_20 : memref<10240x128xf32, #tpu.memory_space<hbm>>) target(%arg9 : memref<128x128xf32, #tpu.memory_space<vmem>>) offsets(%dma_start3A_17 : memref<128xi32, #tpu.memory_space<vmem>>) semaphore(%arg11 : memref<!tpu.dma_semaphore, #tpu.memory_space<semaphore_mem>>)
      %dma_wait3A = arith.constant 0 : i32
      %dma_wait3A_21 = tpu.memref_slice %arg7[%scan3A_15, %dma_wait3A] : memref<79x128xi32, #tpu.memory_space<vmem>> -> memref<1x128xi32, #tpu.memory_space<vmem>>
      %dma_wait3A_22 = tpu.memref_squeeze %dma_wait3A_21 : memref<1x128xi32, #tpu.memory_space<vmem>> -> memref<128xi32, #tpu.memory_space<vmem>>
      %dma_wait3A_23 = arith.constant 0 : i32
      %dma_wait3A_24 = arith.constant 0 : i32
      %dma_wait3A_25 = tpu.memref_slice %arg2[%dma_wait3A_23, %dma_wait3A_24] : memref<10240x128xf32, #tpu.memory_space<hbm>> -> memref<10240x128xf32, #tpu.memory_space<hbm>>
      tpu.wait_indirect_dma semaphore(%arg11 : memref<!tpu.dma_semaphore, #tpu.memory_space<semaphore_mem>>) src(%dma_wait3A_25 : memref<10240x128xf32, #tpu.memory_space<hbm>>) dst(%arg9 : memref<128x128xf32, #tpu.memory_space<vmem>>)
      "tpu.region"() ({
        %run_scoped3A = tpu.sem_alloc : memref<!tpu.dma_semaphore, #tpu.memory_space<semaphore_mem>>
        %dma_start3A_26 = arith.constant 0 : i32
        %dma_start3A_27 = tpu.memref_slice %arg8[%scan3A_15, %dma_start3A_26] : memref<79x128xi32, #tpu.memory_space<vmem>> -> memref<1x128xi32, #tpu.memory_space<vmem>>
        %dma_start3A_28 = tpu.memref_squeeze %dma_start3A_27 : memref<1x128xi32, #tpu.memory_space<vmem>> -> memref<128xi32, #tpu.memory_space<vmem>>
        %dma_start3A_29 = arith.constant 0 : i32
        %dma_start3A_30 = arith.constant 0 : i32
        %dma_start3A_31 = tpu.memref_slice %arg10[%dma_start3A_29, %dma_start3A_30] : memref<10240x128xf32, #tpu.memory_space<vmem_shared>> -> memref<10240x128xf32, #tpu.memory_space<vmem_shared>>
        tpu.enqueue_indirect_dma source(%arg9 : memref<128x128xf32, #tpu.memory_space<vmem>>) target(%dma_start3A_31 : memref<10240x128xf32, #tpu.memory_space<vmem_shared>>) offsets(%dma_start3A_28 : memref<128xi32, #tpu.memory_space<vmem>>) semaphore(%run_scoped3A : memref<!tpu.dma_semaphore, #tpu.memory_space<semaphore_mem>>) {add = true}
        %dma_wait3A_32 = arith.constant 0 : i32
        %dma_wait3A_33 = tpu.memref_slice %arg8[%scan3A_15, %dma_wait3A_32] : memref<79x128xi32, #tpu.memory_space<vmem>> -> memref<1x128xi32, #tpu.memory_space<vmem>>
        %dma_wait3A_34 = tpu.memref_squeeze %dma_wait3A_33 : memref<1x128xi32, #tpu.memory_space<vmem>> -> memref<128xi32, #tpu.memory_space<vmem>>
        %dma_wait3A_35 = arith.constant 0 : i32
        %dma_wait3A_36 = arith.constant 0 : i32
        %dma_wait3A_37 = tpu.memref_slice %arg10[%dma_wait3A_35, %dma_wait3A_36] : memref<10240x128xf32, #tpu.memory_space<vmem_shared>> -> memref<10240x128xf32, #tpu.memory_space<vmem_shared>>
        tpu.wait_indirect_dma semaphore(%run_scoped3A : memref<!tpu.dma_semaphore, #tpu.memory_space<semaphore_mem>>) src(%arg9 : memref<128x128xf32, #tpu.memory_space<vmem>>) dst(%dma_wait3A_37 : memref<10240x128xf32, #tpu.memory_space<vmem_shared>>)
        tpu.yield
      }) : () -> ()
    }
    %scan3A_9 = arith.constant 79 : i32
    %barrier3A_10 = arith.constant 0 : index
    tpu.barrier barrier_id(%barrier3A_10)
    %mul3A_11 = arith.constant 640 : i32
    %mul3A_12 = arith.muli %arg1, %mul3A_11 : i32
    %mul3A_13 = arith.constant 640 : i32
    %mul3A_14 = arith.muli %arg1, %mul3A_13 : i32
    "tpu.region"() ({
      %run_scoped3A = tpu.sem_alloc : memref<!tpu.dma_semaphore, #tpu.memory_space<semaphore_mem>>
      %dma_start3A = arith.constant 0 : i32
      %dma_start3A_15 = tpu.memref_slice %arg6[%arg0, %mul3A_14, %dma_start3A] : memref<2x10240x128xf32, #tpu.memory_space<hbm>> -> memref<1x640x128xf32, #tpu.memory_space<hbm>>
      %dma_start3A_16 = tpu.memref_squeeze %dma_start3A_15 : memref<1x640x128xf32, #tpu.memory_space<hbm>> -> memref<640x128xf32, #tpu.memory_space<hbm>>
      %dma_start3A_17 = arith.constant 0 : i32
      %dma_start3A_18 = tpu.memref_slice %arg10[%mul3A_12, %dma_start3A_17] : memref<10240x128xf32, #tpu.memory_space<vmem_shared>> -> memref<640x128xf32, #tpu.memory_space<vmem_shared>>
      tpu.enqueue_dma source(%dma_start3A_18 : memref<640x128xf32, #tpu.memory_space<vmem_shared>>) target(%dma_start3A_16 : memref<640x128xf32, #tpu.memory_space<hbm>>) target_semaphore(%run_scoped3A : memref<!tpu.dma_semaphore, #tpu.memory_space<semaphore_mem>>)
      %dma_wait3A = arith.constant 0 : i32
      %dma_wait3A_19 = tpu.memref_slice %arg6[%arg0, %mul3A_14, %dma_wait3A] : memref<2x10240x128xf32, #tpu.memory_space<hbm>> -> memref<1x640x128xf32, #tpu.memory_space<hbm>>
      %dma_wait3A_20 = tpu.memref_squeeze %dma_wait3A_19 : memref<1x640x128xf32, #tpu.memory_space<hbm>> -> memref<640x128xf32, #tpu.memory_space<hbm>>
      %dma_wait3A_21 = arith.constant 0 : i32
      %dma_wait3A_22 = tpu.memref_slice %arg10[%mul3A_12, %dma_wait3A_21] : memref<10240x128xf32, #tpu.memory_space<vmem_shared>> -> memref<640x128xf32, #tpu.memory_space<vmem_shared>>
      tpu.wait_dma2 semaphore(%run_scoped3A : memref<!tpu.dma_semaphore, #tpu.memory_space<semaphore_mem>>) src(%dma_wait3A_22 : memref<640x128xf32, #tpu.memory_space<vmem_shared>>) dst(%dma_wait3A_20 : memref<640x128xf32, #tpu.memory_space<hbm>>)
      tpu.yield
    }) : () -> ()
    return
  }
}

module attributes {stable_mosaic.version = 14 : i64} {
  func.func @body(%arg0: i32, %arg1: memref<2x512x128xf32, #tpu.memory_space<vmem>>, %arg2: memref<512x128xf32, #tpu.memory_space<vmem>>, %arg3: memref<512x1xf32, #tpu.memory_space<vmem>>, %arg4: memref<1x128xf32, #tpu.memory_space<vmem>>, %arg5: memref<128x128xf32, #tpu.memory_space<vmem>>, %arg6: memref<512x128xf32, #tpu.memory_space<vmem>>) attributes {dimension_semantics = [#tpu.dimension_semantics<arbitrary>], iteration_bounds = array<i64: 20>, scalar_prefetch = 0 : i64, scratch_operands = 0 : i64, tpu.core_type = #tpu.core_type<tc>, window_params = [{transform_indices = @transform_0, window_bounds = array<i64: 2, 512, 128>}, {transform_indices = @transform_1, window_bounds = array<i64: 512, 128>}, {transform_indices = @transform_2, window_bounds = array<i64: 512, 1>}, {pipeline_mode = #tpu.pipeline_mode<synchronous>, transform_indices = @transform_3, window_bounds = array<i64: 1, 128>}, {pipeline_mode = #tpu.pipeline_mode<synchronous>, transform_indices = @transform_4, window_bounds = array<i64: 128, 128>}, {transform_indices = @transform_5, window_bounds = array<i64: 512, 128>}]} {
    %get3A = arith.constant 0 : index
    %get3A_0 = arith.constant 0 : index
    %get3A_1 = arith.constant 0 : index
    %get3A_2 = vector.load %arg1[%get3A, %get3A_0, %get3A_1] : memref<2x512x128xf32, #tpu.memory_space<vmem>>, vector<1x512x128xf32>
    %get3A_3 = vector.shape_cast %get3A_2 : vector<1x512x128xf32> to vector<512x128xf32>
    %get3A_4 = arith.constant 1 : index
    %get3A_5 = arith.constant 0 : index
    %get3A_6 = arith.constant 0 : index
    %get3A_7 = vector.load %arg1[%get3A_4, %get3A_5, %get3A_6] : memref<2x512x128xf32, #tpu.memory_space<vmem>>, vector<1x512x128xf32>
    %get3A_8 = vector.shape_cast %get3A_7 : vector<1x512x128xf32> to vector<512x128xf32>
    %add3A = arith.addf %get3A_3, %get3A_8 : vector<512x128xf32>
    %get3A_9 = arith.constant 0 : index
    %get3A_10 = arith.constant 0 : index
    %get3A_11 = vector.load %arg2[%get3A_9, %get3A_10] : memref<512x128xf32, #tpu.memory_space<vmem>>, vector<512x128xf32>
    %add3A_12 = arith.addf %add3A, %get3A_11 : vector<512x128xf32>
    %get3A_13 = arith.constant 0 : index
    %get3A_14 = arith.constant 0 : index
    %get3A_15 = vector.load %arg3[%get3A_13, %get3A_14] : memref<512x1xf32, #tpu.memory_space<vmem>>, vector<512x1xf32>
    %mul3A = vector.broadcast %get3A_15 : vector<512x1xf32> to vector<512x128xf32>
    %mul3A_16 = arith.mulf %add3A_12, %mul3A : vector<512x128xf32>
    %get3A_17 = arith.constant 0 : index
    %get3A_18 = arith.constant 0 : index
    %get3A_19 = vector.load %arg4[%get3A_17, %get3A_18] : memref<1x128xf32, #tpu.memory_space<vmem>>, vector<1x128xf32>
    %add3A_20 = vector.broadcast %get3A_19 : vector<1x128xf32> to vector<512x128xf32>
    %add3A_21 = arith.addf %mul3A_16, %add3A_20 : vector<512x128xf32>
    %get3A_22 = arith.constant 0 : index
    %get3A_23 = arith.constant 0 : index
    %get3A_24 = vector.load %arg5[%get3A_22, %get3A_23] : memref<128x128xf32, #tpu.memory_space<vmem>>, vector<128x128xf32>
    %dot_general3A = arith.constant dense<0.000000e+00> : vector<512x128xf32>
    %dot_general3A_25 = tpu.matmul %add3A_21, %get3A_24, %dot_general3A {dimension_numbers = #tpu.dot_dimension_numbers<[1], [0], [0], [1], [0, 0, 1, 1], [], []>, transpose_lhs_hint = false} : vector<512x128xf32>, vector<128x128xf32>, vector<512x128xf32> -> vector<512x128xf32>
    %get3A_26 = arith.constant 0 : index
    %get3A_27 = arith.constant 0 : index
    %get3A_28 = vector.load %arg3[%get3A_26, %get3A_27] : memref<512x1xf32, #tpu.memory_space<vmem>>, vector<512x1xf32>
    %mul3A_29 = vector.broadcast %get3A_28 : vector<512x1xf32> to vector<512x128xf32>
    %mul3A_30 = arith.mulf %dot_general3A_25, %mul3A_29 : vector<512x128xf32>
    %swap3A = arith.constant 0 : index
    %swap3A_31 = arith.constant 0 : index
    %swap3A_32 = vector.load %arg6[%swap3A, %swap3A_31] : memref<512x128xf32, #tpu.memory_space<vmem>>, vector<512x128xf32>
    tpu.vector_store %arg6[%swap3A, %swap3A_31], %mul3A_30 {strides = array<i32>} : memref<512x128xf32, #tpu.memory_space<vmem>>, vector<512x128xf32>,
    return
  }
  func.func @transform_0(%arg0: i32) -> (i32, i32, i32) {
    %c0_i32 = arith.constant 0 : i32
    %c0_i32_0 = arith.constant 0 : i32
    %c0_i32_1 = arith.constant 0 : i32
    return %c0_i32, %arg0, %c0_i32_0 : i32, i32, i32
  }
  func.func @transform_1(%arg0: i32) -> (i32, i32) {
    %c0_i32 = arith.constant 0 : i32
    %c0_i32_0 = arith.constant 0 : i32
    return %arg0, %c0_i32 : i32, i32
  }
  func.func @transform_2(%arg0: i32) -> (i32, i32) {
    %c0_i32 = arith.constant 0 : i32
    %c0_i32_0 = arith.constant 0 : i32
    return %arg0, %c0_i32 : i32, i32
  }
  func.func @transform_3(%arg0: i32) -> (i32, i32) {
    %c0_i32 = arith.constant 0 : i32
    %c0_i32_0 = arith.constant 0 : i32
    %c0_i32_1 = arith.constant 0 : i32
    return %c0_i32, %c0_i32_0 : i32, i32
  }
  func.func @transform_4(%arg0: i32) -> (i32, i32) {
    %c0_i32 = arith.constant 0 : i32
    %c0_i32_0 = arith.constant 0 : i32
    %c0_i32_1 = arith.constant 0 : i32
    return %c0_i32, %c0_i32_0 : i32, i32
  }
  func.func @transform_5(%arg0: i32) -> (i32, i32) {
    %c0_i32 = arith.constant 0 : i32
    %c0_i32_0 = arith.constant 0 : i32
    return %arg0, %c0_i32 : i32, i32
  }
}

module attributes {stable_mosaic.version = 14 : i64} {
  func.func @body(%arg0: i32, %arg1: memref<512x128xf32, #tpu.memory_space<vmem>>, %arg2: memref<512x4xf32, #tpu.memory_space<vmem>>, %arg3: memref<512x1xf32, #tpu.memory_space<vmem>>, %arg4: memref<4x128xf32, #tpu.memory_space<vmem>>, %arg5: memref<1x128xf32, #tpu.memory_space<vmem>>, %arg6: memref<128x128xf32, #tpu.memory_space<vmem>>, %arg7: memref<1x128xf32, #tpu.memory_space<vmem>>, %arg8: memref<128x128xf32, #tpu.memory_space<vmem>>, %arg9: memref<128x128xf32, #tpu.memory_space<vmem>>, %arg10: memref<512x128xf32, #tpu.memory_space<vmem>>) attributes {dimension_semantics = [#tpu.dimension_semantics<arbitrary>], iteration_bounds = array<i64: 20>, scalar_prefetch = 0 : i64, scratch_operands = 0 : i64, tpu.core_type = #tpu.core_type<tc>, window_params = [{transform_indices = @transform_0, window_bounds = array<i64: 512, 128>}, {transform_indices = @transform_1, window_bounds = array<i64: 512, 4>}, {transform_indices = @transform_2, window_bounds = array<i64: 512, 1>}, {pipeline_mode = #tpu.pipeline_mode<synchronous>, transform_indices = @transform_3, window_bounds = array<i64: 4, 128>}, {pipeline_mode = #tpu.pipeline_mode<synchronous>, transform_indices = @transform_4, window_bounds = array<i64: 1, 128>}, {pipeline_mode = #tpu.pipeline_mode<synchronous>, transform_indices = @transform_5, window_bounds = array<i64: 128, 128>}, {pipeline_mode = #tpu.pipeline_mode<synchronous>, transform_indices = @transform_6, window_bounds = array<i64: 1, 128>}, {pipeline_mode = #tpu.pipeline_mode<synchronous>, transform_indices = @transform_7, window_bounds = array<i64: 128, 128>}, {pipeline_mode = #tpu.pipeline_mode<synchronous>, transform_indices = @transform_8, window_bounds = array<i64: 128, 128>}, {transform_indices = @transform_9, window_bounds = array<i64: 512, 128>}]} {
    %get3A = arith.constant 0 : index
    %get3A_0 = arith.constant 0 : index
    %get3A_1 = vector.load %arg2[%get3A, %get3A_0] : memref<512x4xf32, #tpu.memory_space<vmem>>, vector<512x4xf32>
    %get3A_2 = arith.constant 0 : index
    %get3A_3 = arith.constant 0 : index
    %get3A_4 = vector.load %arg4[%get3A_2, %get3A_3] : memref<4x128xf32, #tpu.memory_space<vmem>>, vector<4x128xf32>
    %dot_general3A = arith.constant dense<0.000000e+00> : vector<512x128xf32>
    %dot_general3A_5 = tpu.matmul %get3A_1, %get3A_4, %dot_general3A {dimension_numbers = #tpu.dot_dimension_numbers<[1], [0], [0], [1], [0, 0, 1, 1], [], []>, transpose_lhs_hint = false} : vector<512x4xf32>, vector<4x128xf32>, vector<512x128xf32> -> vector<512x128xf32>
    %get3A_6 = arith.constant 0 : index
    %get3A_7 = arith.constant 0 : index
    %get3A_8 = vector.load %arg5[%get3A_6, %get3A_7] : memref<1x128xf32, #tpu.memory_space<vmem>>, vector<1x128xf32>
    %add3A = vector.broadcast %get3A_8 : vector<1x128xf32> to vector<512x128xf32>
    %add3A_9 = arith.addf %dot_general3A_5, %add3A : vector<512x128xf32>
    %max3A = arith.constant 0.000000e+00 : f32
    %max3A_10 = vector.broadcast %max3A : f32 to vector<512x128xf32>
    %max3A_11 = arith.maximumf %add3A_9, %max3A_10 : vector<512x128xf32>
    %get3A_12 = arith.constant 0 : index
    %get3A_13 = arith.constant 0 : index
    %get3A_14 = vector.load %arg6[%get3A_12, %get3A_13] : memref<128x128xf32, #tpu.memory_space<vmem>>, vector<128x128xf32>
    %dot_general3A_15 = arith.constant dense<0.000000e+00> : vector<512x128xf32>
    %dot_general3A_16 = tpu.matmul %max3A_11, %get3A_14, %dot_general3A_15 {dimension_numbers = #tpu.dot_dimension_numbers<[1], [0], [0], [1], [0, 0, 1, 1], [], []>, transpose_lhs_hint = false} : vector<512x128xf32>, vector<128x128xf32>, vector<512x128xf32> -> vector<512x128xf32>
    %get3A_17 = arith.constant 0 : index
    %get3A_18 = arith.constant 0 : index
    %get3A_19 = vector.load %arg7[%get3A_17, %get3A_18] : memref<1x128xf32, #tpu.memory_space<vmem>>, vector<1x128xf32>
    %add3A_20 = vector.broadcast %get3A_19 : vector<1x128xf32> to vector<512x128xf32>
    %add3A_21 = arith.addf %dot_general3A_16, %add3A_20 : vector<512x128xf32>
    %get3A_22 = arith.constant 0 : index
    %get3A_23 = arith.constant 0 : index
    %get3A_24 = vector.load %arg1[%get3A_22, %get3A_23] : memref<512x128xf32, #tpu.memory_space<vmem>>, vector<512x128xf32>
    %get3A_25 = arith.constant 0 : index
    %get3A_26 = arith.constant 0 : index
    %get3A_27 = vector.load %arg8[%get3A_25, %get3A_26] : memref<128x128xf32, #tpu.memory_space<vmem>>, vector<128x128xf32>
    %dot_general3A_28 = arith.constant dense<0.000000e+00> : vector<512x128xf32>
    %dot_general3A_29 = tpu.matmul %get3A_24, %get3A_27, %dot_general3A_28 {dimension_numbers = #tpu.dot_dimension_numbers<[1], [0], [0], [1], [0, 0, 1, 1], [], []>, transpose_lhs_hint = false} : vector<512x128xf32>, vector<128x128xf32>, vector<512x128xf32> -> vector<512x128xf32>
    %get3A_30 = arith.constant 0 : index
    %get3A_31 = arith.constant 0 : index
    %get3A_32 = vector.load %arg9[%get3A_30, %get3A_31] : memref<128x128xf32, #tpu.memory_space<vmem>>, vector<128x128xf32>
    %dot_general3A_33 = arith.constant dense<0.000000e+00> : vector<512x128xf32>
    %dot_general3A_34 = tpu.matmul %add3A_21, %get3A_32, %dot_general3A_33 {dimension_numbers = #tpu.dot_dimension_numbers<[1], [0], [0], [1], [0, 0, 1, 1], [], []>, transpose_lhs_hint = false} : vector<512x128xf32>, vector<128x128xf32>, vector<512x128xf32> -> vector<512x128xf32>
    %add3A_35 = arith.addf %dot_general3A_29, %dot_general3A_34 : vector<512x128xf32>
    %get3A_36 = arith.constant 0 : index
    %get3A_37 = arith.constant 0 : index
    %get3A_38 = vector.load %arg3[%get3A_36, %get3A_37] : memref<512x1xf32, #tpu.memory_space<vmem>>, vector<512x1xf32>
    %mul3A = vector.broadcast %get3A_38 : vector<512x1xf32> to vector<512x128xf32>
    %mul3A_39 = arith.mulf %add3A_35, %mul3A : vector<512x128xf32>
    %swap3A = arith.constant 0 : index
    %swap3A_40 = arith.constant 0 : index
    %swap3A_41 = vector.load %arg10[%swap3A, %swap3A_40] : memref<512x128xf32, #tpu.memory_space<vmem>>, vector<512x128xf32>
    tpu.vector_store %arg10[%swap3A, %swap3A_40], %mul3A_39 {strides = array<i32>} : memref<512x128xf32, #tpu.memory_space<vmem>>, vector<512x128xf32>,
    return
  }
  func.func @transform_0(%arg0: i32) -> (i32, i32) {
    %c0_i32 = arith.constant 0 : i32
    %c0_i32_0 = arith.constant 0 : i32
    return %arg0, %c0_i32 : i32, i32
  }
  func.func @transform_1(%arg0: i32) -> (i32, i32) {
    %c0_i32 = arith.constant 0 : i32
    %c0_i32_0 = arith.constant 0 : i32
    return %arg0, %c0_i32 : i32, i32
  }
  func.func @transform_2(%arg0: i32) -> (i32, i32) {
    %c0_i32 = arith.constant 0 : i32
    %c0_i32_0 = arith.constant 0 : i32
    return %arg0, %c0_i32 : i32, i32
  }
  func.func @transform_3(%arg0: i32) -> (i32, i32) {
    %c0_i32 = arith.constant 0 : i32
    %c0_i32_0 = arith.constant 0 : i32
    %c0_i32_1 = arith.constant 0 : i32
    return %c0_i32, %c0_i32_0 : i32, i32
  }
  func.func @transform_4(%arg0: i32) -> (i32, i32) {
    %c0_i32 = arith.constant 0 : i32
    %c0_i32_0 = arith.constant 0 : i32
    %c0_i32_1 = arith.constant 0 : i32
    return %c0_i32, %c0_i32_0 : i32, i32
  }
  func.func @transform_5(%arg0: i32) -> (i32, i32) {
    %c0_i32 = arith.constant 0 : i32
    %c0_i32_0 = arith.constant 0 : i32
    %c0_i32_1 = arith.constant 0 : i32
    return %c0_i32, %c0_i32_0 : i32, i32
  }
  func.func @transform_6(%arg0: i32) -> (i32, i32) {
    %c0_i32 = arith.constant 0 : i32
    %c0_i32_0 = arith.constant 0 : i32
    %c0_i32_1 = arith.constant 0 : i32
    return %c0_i32, %c0_i32_0 : i32, i32
  }
  func.func @transform_7(%arg0: i32) -> (i32, i32) {
    %c0_i32 = arith.constant 0 : i32
    %c0_i32_0 = arith.constant 0 : i32
    %c0_i32_1 = arith.constant 0 : i32
    return %c0_i32, %c0_i32_0 : i32, i32
  }
  func.func @transform_8(%arg0: i32) -> (i32, i32) {
    %c0_i32 = arith.constant 0 : i32
    %c0_i32_0 = arith.constant 0 : i32
    %c0_i32_1 = arith.constant 0 : i32
    return %c0_i32, %c0_i32_0 : i32, i32
  }
  func.func @transform_9(%arg0: i32) -> (i32, i32) {
    %c0_i32 = arith.constant 0 : i32
    %c0_i32_0 = arith.constant 0 : i32
    return %arg0, %c0_i32 : i32, i32
  }
}

module attributes {stable_mosaic.version = 14 : i64} {
  func.func @body(%arg0: i32, %arg1: memref<2x512x128xf32, #tpu.memory_space<vmem>>, %arg2: memref<512x128xf32, #tpu.memory_space<vmem>>, %arg3: memref<512x1xf32, #tpu.memory_space<vmem>>, %arg4: memref<1x128xf32, #tpu.memory_space<vmem>>, %arg5: memref<128x128xf32, #tpu.memory_space<vmem>>, %arg6: memref<512x128xf32, #tpu.memory_space<vmem>>) attributes {dimension_semantics = [#tpu.dimension_semantics<arbitrary>], iteration_bounds = array<i64: 20>, scalar_prefetch = 0 : i64, scratch_operands = 0 : i64, tpu.core_type = #tpu.core_type<tc>, window_params = [{transform_indices = @transform_0, window_bounds = array<i64: 2, 512, 128>}, {transform_indices = @transform_1, window_bounds = array<i64: 512, 128>}, {transform_indices = @transform_2, window_bounds = array<i64: 512, 1>}, {pipeline_mode = #tpu.pipeline_mode<synchronous>, transform_indices = @transform_3, window_bounds = array<i64: 1, 128>}, {pipeline_mode = #tpu.pipeline_mode<synchronous>, transform_indices = @transform_4, window_bounds = array<i64: 128, 128>}, {transform_indices = @transform_5, window_bounds = array<i64: 512, 128>}]} {
    %get3A = arith.constant 0 : index
    %get3A_0 = arith.constant 0 : index
    %get3A_1 = arith.constant 0 : index
    %get3A_2 = vector.load %arg1[%get3A, %get3A_0, %get3A_1] : memref<2x512x128xf32, #tpu.memory_space<vmem>>, vector<1x512x128xf32>
    %get3A_3 = vector.shape_cast %get3A_2 : vector<1x512x128xf32> to vector<512x128xf32>
    %get3A_4 = arith.constant 1 : index
    %get3A_5 = arith.constant 0 : index
    %get3A_6 = arith.constant 0 : index
    %get3A_7 = vector.load %arg1[%get3A_4, %get3A_5, %get3A_6] : memref<2x512x128xf32, #tpu.memory_space<vmem>>, vector<1x512x128xf32>
    %get3A_8 = vector.shape_cast %get3A_7 : vector<1x512x128xf32> to vector<512x128xf32>
    %add3A = arith.addf %get3A_3, %get3A_8 : vector<512x128xf32>
    %get3A_9 = arith.constant 0 : index
    %get3A_10 = arith.constant 0 : index
    %get3A_11 = vector.load %arg2[%get3A_9, %get3A_10] : memref<512x128xf32, #tpu.memory_space<vmem>>, vector<512x128xf32>
    %add3A_12 = arith.addf %add3A, %get3A_11 : vector<512x128xf32>
    %get3A_13 = arith.constant 0 : index
    %get3A_14 = arith.constant 0 : index
    %get3A_15 = vector.load %arg3[%get3A_13, %get3A_14] : memref<512x1xf32, #tpu.memory_space<vmem>>, vector<512x1xf32>
    %mul3A = vector.broadcast %get3A_15 : vector<512x1xf32> to vector<512x128xf32>
    %mul3A_16 = arith.mulf %add3A_12, %mul3A : vector<512x128xf32>
    %get3A_17 = arith.constant 0 : index
    %get3A_18 = arith.constant 0 : index
    %get3A_19 = vector.load %arg4[%get3A_17, %get3A_18] : memref<1x128xf32, #tpu.memory_space<vmem>>, vector<1x128xf32>
    %add3A_20 = vector.broadcast %get3A_19 : vector<1x128xf32> to vector<512x128xf32>
    %add3A_21 = arith.addf %mul3A_16, %add3A_20 : vector<512x128xf32>
    %max3A = arith.constant 0.000000e+00 : f32
    %max3A_22 = vector.broadcast %max3A : f32 to vector<512x128xf32>
    %max3A_23 = arith.maximumf %add3A_21, %max3A_22 : vector<512x128xf32>
    %get3A_24 = arith.constant 0 : index
    %get3A_25 = arith.constant 0 : index
    %get3A_26 = vector.load %arg5[%get3A_24, %get3A_25] : memref<128x128xf32, #tpu.memory_space<vmem>>, vector<128x128xf32>
    %dot_general3A = arith.constant dense<0.000000e+00> : vector<512x128xf32>
    %dot_general3A_27 = tpu.matmul %max3A_23, %get3A_26, %dot_general3A {dimension_numbers = #tpu.dot_dimension_numbers<[1], [0], [0], [1], [0, 0, 1, 1], [], []>, transpose_lhs_hint = false} : vector<512x128xf32>, vector<128x128xf32>, vector<512x128xf32> -> vector<512x128xf32>
    %get3A_28 = arith.constant 0 : index
    %get3A_29 = arith.constant 0 : index
    %get3A_30 = vector.load %arg3[%get3A_28, %get3A_29] : memref<512x1xf32, #tpu.memory_space<vmem>>, vector<512x1xf32>
    %mul3A_31 = vector.broadcast %get3A_30 : vector<512x1xf32> to vector<512x128xf32>
    %mul3A_32 = arith.mulf %dot_general3A_27, %mul3A_31 : vector<512x128xf32>
    %swap3A = arith.constant 0 : index
    %swap3A_33 = arith.constant 0 : index
    %swap3A_34 = vector.load %arg6[%swap3A, %swap3A_33] : memref<512x128xf32, #tpu.memory_space<vmem>>, vector<512x128xf32>
    tpu.vector_store %arg6[%swap3A, %swap3A_33], %mul3A_32 {strides = array<i32>} : memref<512x128xf32, #tpu.memory_space<vmem>>, vector<512x128xf32>,
    return
  }
  func.func @transform_0(%arg0: i32) -> (i32, i32, i32) {
    %c0_i32 = arith.constant 0 : i32
    %c0_i32_0 = arith.constant 0 : i32
    %c0_i32_1 = arith.constant 0 : i32
    return %c0_i32, %arg0, %c0_i32_0 : i32, i32, i32
  }
  func.func @transform_1(%arg0: i32) -> (i32, i32) {
    %c0_i32 = arith.constant 0 : i32
    %c0_i32_0 = arith.constant 0 : i32
    return %arg0, %c0_i32 : i32, i32
  }
  func.func @transform_2(%arg0: i32) -> (i32, i32) {
    %c0_i32 = arith.constant 0 : i32
    %c0_i32_0 = arith.constant 0 : i32
    return %arg0, %c0_i32 : i32, i32
  }
  func.func @transform_3(%arg0: i32) -> (i32, i32) {
    %c0_i32 = arith.constant 0 : i32
    %c0_i32_0 = arith.constant 0 : i32
    %c0_i32_1 = arith.constant 0 : i32
    return %c0_i32, %c0_i32_0 : i32, i32
  }
  func.func @transform_4(%arg0: i32) -> (i32, i32) {
    %c0_i32 = arith.constant 0 : i32
    %c0_i32_0 = arith.constant 0 : i32
    %c0_i32_1 = arith.constant 0 : i32
    return %c0_i32, %c0_i32_0 : i32, i32
  }
  func.func @transform_5(%arg0: i32) -> (i32, i32) {
    %c0_i32 = arith.constant 0 : i32
    %c0_i32_0 = arith.constant 0 : i32
    return %arg0, %c0_i32 : i32, i32
  }
}

module attributes {stable_mosaic.version = 14 : i64} {
  func.func @body(%arg0: i32, %arg1: memref<2x512x128xf32, #tpu.memory_space<vmem>>, %arg2: memref<512x128xf32, #tpu.memory_space<vmem>>, %arg3: memref<512x1xf32, #tpu.memory_space<vmem>>, %arg4: memref<1x128xf32, #tpu.memory_space<vmem>>, %arg5: memref<512x128xf32, #tpu.memory_space<vmem>>) attributes {dimension_semantics = [#tpu.dimension_semantics<arbitrary>], iteration_bounds = array<i64: 20>, scalar_prefetch = 0 : i64, scratch_operands = 0 : i64, tpu.core_type = #tpu.core_type<tc>, window_params = [{transform_indices = @transform_0, window_bounds = array<i64: 2, 512, 128>}, {transform_indices = @transform_1, window_bounds = array<i64: 512, 128>}, {transform_indices = @transform_2, window_bounds = array<i64: 512, 1>}, {pipeline_mode = #tpu.pipeline_mode<synchronous>, transform_indices = @transform_3, window_bounds = array<i64: 1, 128>}, {transform_indices = @transform_4, window_bounds = array<i64: 512, 128>}]} {
    %get3A = arith.constant 0 : index
    %get3A_0 = arith.constant 0 : index
    %get3A_1 = arith.constant 0 : index
    %get3A_2 = vector.load %arg1[%get3A, %get3A_0, %get3A_1] : memref<2x512x128xf32, #tpu.memory_space<vmem>>, vector<1x512x128xf32>
    %get3A_3 = vector.shape_cast %get3A_2 : vector<1x512x128xf32> to vector<512x128xf32>
    %get3A_4 = arith.constant 1 : index
    %get3A_5 = arith.constant 0 : index
    %get3A_6 = arith.constant 0 : index
    %get3A_7 = vector.load %arg1[%get3A_4, %get3A_5, %get3A_6] : memref<2x512x128xf32, #tpu.memory_space<vmem>>, vector<1x512x128xf32>
    %get3A_8 = vector.shape_cast %get3A_7 : vector<1x512x128xf32> to vector<512x128xf32>
    %add3A = arith.addf %get3A_3, %get3A_8 : vector<512x128xf32>
    %get3A_9 = arith.constant 0 : index
    %get3A_10 = arith.constant 0 : index
    %get3A_11 = vector.load %arg2[%get3A_9, %get3A_10] : memref<512x128xf32, #tpu.memory_space<vmem>>, vector<512x128xf32>
    %add3A_12 = arith.addf %add3A, %get3A_11 : vector<512x128xf32>
    %get3A_13 = arith.constant 0 : index
    %get3A_14 = arith.constant 0 : index
    %get3A_15 = vector.load %arg3[%get3A_13, %get3A_14] : memref<512x1xf32, #tpu.memory_space<vmem>>, vector<512x1xf32>
    %mul3A = vector.broadcast %get3A_15 : vector<512x1xf32> to vector<512x128xf32>
    %mul3A_16 = arith.mulf %add3A_12, %mul3A : vector<512x128xf32>
    %get3A_17 = arith.constant 0 : index
    %get3A_18 = arith.constant 0 : index
    %get3A_19 = vector.load %arg4[%get3A_17, %get3A_18] : memref<1x128xf32, #tpu.memory_space<vmem>>, vector<1x128xf32>
    %add3A_20 = vector.broadcast %get3A_19 : vector<1x128xf32> to vector<512x128xf32>
    %add3A_21 = arith.addf %mul3A_16, %add3A_20 : vector<512x128xf32>
    %swap3A = arith.constant 0 : index
    %swap3A_22 = arith.constant 0 : index
    %swap3A_23 = vector.load %arg5[%swap3A, %swap3A_22] : memref<512x128xf32, #tpu.memory_space<vmem>>, vector<512x128xf32>
    tpu.vector_store %arg5[%swap3A, %swap3A_22], %add3A_21 {strides = array<i32>} : memref<512x128xf32, #tpu.memory_space<vmem>>, vector<512x128xf32>,
    return
  }
  func.func @transform_0(%arg0: i32) -> (i32, i32, i32) {
    %c0_i32 = arith.constant 0 : i32
    %c0_i32_0 = arith.constant 0 : i32
    %c0_i32_1 = arith.constant 0 : i32
    return %c0_i32, %arg0, %c0_i32_0 : i32, i32, i32
  }
  func.func @transform_1(%arg0: i32) -> (i32, i32) {
    %c0_i32 = arith.constant 0 : i32
    %c0_i32_0 = arith.constant 0 : i32
    return %arg0, %c0_i32 : i32, i32
  }
  func.func @transform_2(%arg0: i32) -> (i32, i32) {
    %c0_i32 = arith.constant 0 : i32
    %c0_i32_0 = arith.constant 0 : i32
    return %arg0, %c0_i32 : i32, i32
  }
  func.func @transform_3(%arg0: i32) -> (i32, i32) {
    %c0_i32 = arith.constant 0 : i32
    %c0_i32_0 = arith.constant 0 : i32
    %c0_i32_1 = arith.constant 0 : i32
    return %c0_i32, %c0_i32_0 : i32, i32
  }
  func.func @transform_4(%arg0: i32) -> (i32, i32) {
    %c0_i32 = arith.constant 0 : i32
    %c0_i32_0 = arith.constant 0 : i32
    return %arg0, %c0_i32 : i32, i32
  }
}

</mosaic_0001>

<sc_bundles>
// kernel: kernel.10.cloned.1.call-start
scs
__scs_entry_jumppad:
0x0: {  	(pc) =	sbr.rel $0x88, $3  }
0x1: {  	(tag) =	ssettag $0x0;
	lr =	simm.s32 $0x1  }
0x2: {  	[smem:$0x3F91] =	sst lr;
	_ =	strace $0xD0000000  }
0x3: {  	_ = 	snop  }
0x4: {  	_ = 	snop  }
0x5: {  	_ = 	snop  }
0x6: {  	_ = 	snop  }
0x7: {  	_ = 	snop  }
__scs_overlays_trampoline_lowered:
0x8: {  	[smem:$0x3FA0] =	sst s0  }
0x9: {  	[smem:$0x3FA1] =	sst s1  }
0xa: {  	[smem:$0x3FA2] =	sst s2  }
0xb: {  	[smem:$0x3FA3] =	sst s3  }
0xc: {  	[smem:$0x3FA4] =	sst s4  }
0xd: {  	[smem:$0x3FA5] =	sst s5  }
0xe: {  	[smem:$0x3FA6] =	sst s6  }
0xf: {  	[smem:$0x3FA7] =	sst s7  }
0x10: {  	[smem:$0x3FA8] =	sst s8  }
0x11: {  	[smem:$0x3FA9] =	sst s9;
	s0 =	simm.s32 @!p0 $0x0  }
0x12: {  	s1 =	sld [smem:$0x3F8F];
	s0 =	simm.s32 @p0 $0x1  }
0x13: {  	[smem:$0x3FAA] =	sst s0;
	s0 =	simm.s32 @!p1 $0x0  }
0x14: {  	s2 =	sld [smem:$0x3F8E];
	s0 =	simm.s32 @p1 $0x1  }
0x15: {  	[smem:$0x3FAB] =	sst s0;
	s0 =	simm.s32 @!p2 $0x0  }
0x16: {  	s3 =	sld [smem:$0x3FDB];
	s0 =	simm.s32 @p2 $0x1  }
0x17: {  	s4 =	simm.s32 $0x1BF5;
	[smem:$0x3FAD] =	sst s0  }
0x18: {  	s0 =	sld [smem:$0x3F90];
	_ =	swait.ge [sflag:s4], $0x0  }
0x19: {  	s7 =	sld [smem:$0x3F91]  }
0x1a: {  	s8 =	sadd.s32 $0xFFFFE003, lr  }
0x1b: {  	s9 =	sadd.s32 $0xFFFFFEF7, lr;
	s5 =	simm.s32 $0xFFFFFFFF;
	p2 =	slt.u32 s8, $0xFFFFF086  }
0x1c: {  	p1 =	slt.u32 s9, $0xF7A;
	s5 =	simm.s32 @!p2 $0x0  }
0x1d: {  	s5 =	simm.s32 @p1 $0x1;
	p0 =	seq.s32 s7, s2  }
0x1e: {  	s7 =	smul.u32 @!p0 $0xF7A, s2;
	p2 =	seq.s32 @!p0 s5, $0x0  }
0x1f: {  	s9 =	smul.u32 $0xF7A, s1;
	s8 =	simm.s32 @!p0 $0x1BF5;
	p2 =	por !p2, p0  }
0x20: {  	[sflag:s8] =	ssyncset.s32 @!p0 $0xFFFFF086;
	s6 =	sadd.s32 @!p0 s3, s7;
	s7 =	simm.s32 @!p0 $0x108  }
0x21: {  	s3 =	sadd.s32 s3, s9;
	s6 =	sadd.s32 @!p0 $0x88, s6;
	s7 =	simm.s32 @p2 $0x1082  }
0x22: {  	[simem:s7], [sflag:s8] =	dma.local @!p0 [hbm:s6], $0xF7A  }
0x23: {  	s9 =	sor.u32 $0xD0000000, s2;
	s6 =	simm.s32 $0x108;
	_ =	swait.ge @!p0 [sflag:s8], $0x0  }
0x24: {  	s3 =	sadd.s32 $0x88, s3;
	s6 =	simm.s32 @!p1 $0x1082;
	[sflag:s4] =	ssyncset.s32 $0xFFFFF086  }
0x25: {  	[simem:s6], [sflag:s4] =	dma.local [hbm:s3], $0xF7A  }
0x26: {  	[smem:$0x3F91] =	sst s1;
	(tag) =	ssettag s2;
	_ =	strace s9  }
0x27: {  	s1 =	sld [smem:$0x3FA1]  }
0x28: {  	s2 =	sld [smem:$0x3FA2]  }
0x29: {  	s4 =	sld [smem:$0x3FA4]  }
0x2a: {  	p0 =	seq.s32 s5, $0x0;
	s5 =	sld [smem:$0x3FA5]  }
0x2b: {  	s6 =	sld [smem:$0x3FA6]  }
0x2c: {  	s7 =	sld [smem:$0x3FA7]  }
0x2d: {  	s3 =	simm.s32 $0x108;
	s8 =	sld [smem:$0x3FA8]  }
0x2e: {  	s3 =	simm.s32 @!p0 $0x1082;
	s9 =	sld [smem:$0x3FA9]  }
0x2f: {  	lr =	sadd.s32 s0, s3;
	s0 =	sld [smem:$0x3FA0]  }
0x30: {  	s3 =	sld [smem:$0x3FA3]  }
0x31: {  	[smem:$0x3FAC] =	sst s10  }
0x32: {  	s10 =	sld [smem:$0x3FAA];
	_ =	sdelay $0x3  }
0x33: {  	p0 =	seq.s32 s10, $0x1;
	s10 =	sld [smem:$0x3FAC];
	_ =	sdelay $0x3  }
0x34: {  	[smem:$0x3FAC] =	sst s10  }
0x35: {  	s10 =	sld [smem:$0x3FAB];
	_ =	sdelay $0x3  }
0x36: {  	p1 =	seq.s32 s10, $0x1;
	s10 =	sld [smem:$0x3FAC];
	_ =	sdelay $0x3  }
0x37: {  	[smem:$0x3FAC] =	sst s10  }
0x38: {  	s10 =	sld [smem:$0x3FAD]  }
0x39: {  	_ = 	snop;
	(pc) =	sbr.ind lr, $3  }
0x3a: {  	_ = 	snop  }
0x3b: {  	_ = 	snop  }
0x3c: {  	p2 =	seq.s32 s10, $0x1;
	s10 =	sld [smem:$0x3FAC]  }
0x3d: {  	_ =	shalt  }
0x3e: {  	_ =	shalt  }
0x3f: {  	_ =	shalt  }
0x40: {  	_ =	shalt  }
0x41: {  	_ =	shalt  }
0x42: {  	_ =	shalt  }
0x43: {  	_ =	shalt  }
0x44: {  	_ =	shalt  }
0x45: {  	_ =	shalt  }
0x46: {  	_ =	shalt  }
0x47: {  	_ =	shalt  }
0x48: {  	_ =	shalt  }
0x49: {  	_ =	shalt  }
0x4a: {  	_ =	shalt  }
0x4b: {  	_ =	shalt  }
0x4c: {  	_ =	shalt  }
0x4d: {  	_ =	shalt  }
0x4e: {  	_ =	shalt  }
0x4f: {  	_ =	shalt  }
0x50: {  	_ =	shalt  }
0x51: {  	_ =	shalt  }
0x52: {  	_ =	shalt  }
0x53: {  	_ =	shalt  }
0x54: {  	_ =	shalt  }
0x55: {  	_ =	shalt  }
0x56: {  	_ =	shalt  }
0x57: {  	_ =	shalt  }
0x58: {  	_ =	shalt  }
0x59: {  	_ =	shalt  }
0x5a: {  	_ =	shalt  }
0x5b: {  	_ =	shalt  }
0x5c: {  	_ =	shalt  }
0x5d: {  	_ =	shalt  }
0x5e: {  	_ =	shalt  }
0x5f: {  	_ =	shalt  }
0x60: {  	_ =	shalt  }
0x61: {  	_ =	shalt  }
0x62: {  	_ =	shalt  }
0x63: {  	_ =	shalt  }
0x64: {  	_ =	shalt  }
0x65: {  	_ =	shalt  }
0x66: {  	_ =	shalt  }
0x67: {  	_ =	shalt  }
0x68: {  	_ =	shalt  }
0x69: {  	_ =	shalt  }
0x6a: {  	_ =	shalt  }
0x6b: {  	_ =	shalt  }
0x6c: {  	_ =	shalt  }
0x6d: {  	_ =	shalt  }
0x6e: {  	_ =	shalt  }
0x6f: {  	_ =	shalt  }
0x70: {  	_ =	shalt  }
0x71: {  	_ =	shalt  }
0x72: {  	_ =	shalt  }
0x73: {  	_ =	shalt  }
0x74: {  	_ =	shalt  }
0x75: {  	_ =	shalt  }
0x76: {  	_ =	shalt  }
0x77: {  	_ =	shalt  }
0x78: {  	_ =	shalt  }
0x79: {  	_ =	shalt  }
0x7a: {  	_ =	shalt  }
0x7b: {  	_ =	shalt  }
0x7c: {  	_ =	shalt  }
0x7d: {  	_ =	shalt  }
0x7e: {  	_ =	shalt  }
0x7f: {  	_ =	shalt  }
0x80: {  	_ =	shalt  }
0x81: {  	_ =	shalt  }
0x82: {  	_ =	shalt  }
0x83: {  	_ =	shalt  }
0x84: {  	_ =	shalt  }
0x85: {  	_ =	shalt  }
0x86: {  	_ =	shalt  }
0x87: {  	_ =	shalt  }
.Lfunc_end0:
.L_simem_size_0:
called_computation_lowered:
.L_overlay_start_0:
0x88: {  	s2 =	sld [smem:$0x3FD9]  }
0x89: {  	s3 =	sld [smem:$0x3FFE];
	_ =	sdelay $0x1  }
0x8a: {  	s1 =	srdreg.scid  }
0x8b: {  	s0 =	sand.u32 $0x1, s1  }
0x8c: {  	s17 =	sshll.u32 s0, $0xA;
	s2 =	sadd.s32 s3, s2  }
0x8d: {  	s2 =	sadd.s32 s2, s17  }
0x8e: {  	[smem:$0x3FB8] =	sst s2  }
0x8f: {  	_ = 	snop  }
0x90: {  	s2 =	sld [smem:$0x3FD0];
	(tm) =	ssettm $0x1  }
0x91: {  	s18 =	sld [smem:$0x3FFB];
	_ =	sdelay $0x3  }
0x92: {  	_ =	strace s18  }
0x93: {  	s3 =	sld [smem:$0x3FFC];
	_ =	sdelay $0x3  }
0x94: {  	_ =	strace s3  }
0x95: {  	s3 =	sld [smem:$0x3FFD];
	_ =	sdelay $0x3  }
0x96: {  	_ =	strace s3  }
0x97: {  	_ =	strace $0x8FFFFFFF  }
0x98: {  	s19 =	sld [smem:$0x3FDB];
	_ =	sdelay $0x1  }
0x99: {  	s4 =	simm.s32 $_scs_section_size  }
0x9a: {  	s5 =	simm.s32 $_size__tile_overlayer_lowered;
	s6 =	simm.s32 $_tile_overlayer_lowered  }
0x9b: {  	s22 =	simm.s32 $0x1BFF;
	s21 =	sshll.u32 s6, $0x1;
	s3 =	sadd.s32 s4, s19  }
0x9c: {  	s7 =	simm.s32 $0x0;
	s20 =	sshll.u32 s5, $0x1;
	s5 =	sadd.s32 s21, s3  }
0x9d: {  	[timem:s7], [sflag:s22] =	dma.local [hbm:s5], s20  }
0x9e: {  	_ =	swait.ge [sflag:s22], s20  }
0x9f: {  	s4 =	ssub.s32 $0x0, s20;
	[sflag:s22] =	ssyncset.done $0x0  }
0xa0: {  	[sflag:s22] =	ssyncadd.s32 s4;
	_ =	sdelay $0x1  }
0xa1: {  	s23 =	simm.s32 $0x1B8B  }
0xa2: {  	_ =	swait.ge [sflag:s23], $0x1  }
0xa3: {  	[sflag:s23] =	ssyncset.done $0x0  }
0xa4: {  	s25 =	simm.s32 $0x1B8E;
	s24 =	sld [smem:$0x3FFE];
	[sflag:s23] =	ssyncadd.s32 $0xFFFFFFFF  }
0xa5: {  	s26 =	simm.s32 $execute0_lowered;
	[smem:$0x3FD2] =	sst s25  }
0xa6: {  	s5 =	sshll.u32 s26, $0x1;
	_ =	strace $0x80000046;
	[dreg:$0x1] =	wrdreg $0xFFFFFFFF  }
0xa7: {  	s28 =	simm.s32 $_size_execute0_lowered;
	s3 =	sadd.s32 s3, s5;
	[dreg:$0x0] =	wrdreg $0x0  }
0xa8: {  	s5 =	sshll.u32 s28, $0x1;
	[dreg:$0x2] =	wrdreg s3  }
0xa9: {  	[dreg:$0x3] =	wrdreg s5  }
0xaa: {  	[dreg:$0x4] =	wrdreg $0xC0  }
0xab: {  	_ =	task [dreg:s7], $0x5FFFF  }
0xac: {  	[dreg:$0x1] =	wrdreg $0xFFFFFFFF  }
0xad: {  	[dreg:$0x0] =	wrdreg $0x60  }
0xae: {  	[dreg:$0x2] =	wrdreg s2  }
0xaf: {  	[dreg:$0x3] =	wrdreg s24  }
0xb0: {  	[dreg:$0x4] =	wrdreg $0x68000  }
0xb1: {  	[dreg:$0x5] =	wrdreg $0x9  }
0xb2: {  	_ =	task.clear_ibuf [dreg:s7], $0x6FFFF;
	_ =	strace $0x90000046  }
0xb3: {  	s29 =	simm.s32 $0x9;
	_ =	strace $0x80000048  }
0xb4: {  	_ =	swait.ge [sflag:s29], $0x1  }
0xb5: {  	[sflag:s29] =	ssyncadd.s32 $0xFFFFFFFF  }
0xb6: {  	_ =	strace $0x90000048  }
0xb7: {  	_ =	sfence  }
0xb8: {  	s30 =	sld [smem:$0x0];
	_ =	sdelay $0x2  }
0xb9: {  	s31 =	sshll.u32 s1, $0xD;
	s1 =	sshrl.u32 s1, $0x2  }
0xba: {  	s3 =	sand.u32 $0x4000, s31;
	s1 =	sadd.s32 s1, s30  }
0xbb: {  	s0 =	sor.u32 s3, s0;
	s1 =	sshll.u32 s1, $0x11  }
0xbc: {  	s0 =	sor.u32 s1, s0  }
0xbd: {  	s0 =	sadd.s32 $0x8F2B, s0  }
0xbe: {  	[sflag:s0] =	ssyncadd.remote.s32 $0x1  }
0xbf: {  	_ =	sfence.sel $0xFFFF  }
0xc0: {  	[dreg:$0x0] =	wrdreg $0xFFFFFFFF;
	(pc) =	sbr.abs _section_cstart, $3  }
0xc1: {  	[dreg:$0x1] =	wrdreg $0xFFFFFFFF  }
0xc2: {  	_ =	task.clear_ibuf [dreg:s7], $0x2FFFF;
	_ =	strace $0x9FFFFFFF  }
0xc3: {  	(tm) =	ssettm $0x7FFFFFFF  }
tec
execute0_lowered:
.L_overlay_start_1:
0x0: {  	(tag) =	ssettag $0x1  }
0x1: {  	s5 =	rddreg [dreg:$0x0]  }
0x2: {  	s6 =	rddreg [dreg:$0x1]  }
0x3: {  	s2 =	rddreg [dreg:$0x2]  }
0x4: {  	s0 =	rddreg [dreg:$0x3];
	s1 =	stileid.u32  }
0x5: {  	s4 =	srdreg.scid;
	s3 =	simm.s32 $0x0;
	s13 =	simm.s32 $0x80  }
0x6: {  	s14 =	simm.s32 $0x0;
	s7 =	smul.u32 $0x14000, s1;
	s8 =	sand.u32 $0x1, s4  }
0x7: {  	[smem:$0x7FF] =	sst s3;
	s4 =	sadd.s32 $0x2BC00, s6;
	s11 =	smul.u32 $0x50000, s1  }
0x8: {  	s31 =	sshll.u32 s1, $0x6;
	s9 =	smul.u32 $0x140000, s8;
	_ =	strace $0x80000047  }
0x9: {  	s28 =	sshll.u32 s8, $0x4;
	s8 =	ssub.s32 $0x2, s8;
	s10 =	sshrl.u32 s7, $0x3  }
0xa: {  	s12 =	sshrl.u32 s8, $0x1;
	s29 =	sshrl.u32 s11, $0x2;
	s11 =	sor.u32 $0x1C01, s31  }
0xb: {  	s10 =	sadd.s32 s10, s6;
	s7 =	sadd.s32 s7, s9;
	s9 =	sor.u32 s1, s28  }
0xc: {  	s8 =	ssub.s32 s8, s12;
	s30 =	sadd.s32 s29, s2;
	s7 =	sshrl.u32 s7, $0x3  }
0xd: {  	s9 =	smul.u32 $0x500, s9;
	s8 =	smax.u32 s8, $0x1;
	s12 =	sshrl.u32 s30, $0x3  }
0xe: {  	s7 =	sadd.s32 s7, s6;
	s6 =	sadd.s32 $0x3C00, s10;
	s10 =	simm.s32 $0x2800  }
0xf: {  	s5 =	sadd.s32 s5, s9;
	s7 =	sadd.s32 $0x2C400, s7;
	s9 =	simm.s32 $0x1  }
.LBB2_1:
0x10: {  	[tilespmem:s3], [sflag:$0x1] =	stream.linear.gather [hbm4b:s5+s3], $0x2780, $0x38;
	[tilespmem:$0x1A800] =	vst v63  }
0x11: {  	_ =	swait.ge [sflag:s9], $0x2780  }
0x12: {  	[sflag:s9] =	ssyncset.done $0x0  }
0x13: {  	[sflag:s9] =	ssyncadd.s32 $0xFFFFD880  }
0x14: {  	[tilespmem:s10], [sflag:$0x1] =	stream.linear.gather [hbm4b:s4+s3], $0x4000, $0x38;
	[tilespmem:$0x1A800] =	vst v63  }
0x15: {  	_ =	swait.ge [sflag:s9], $0x4000  }
0x16: {  	[sflag:s9] =	ssyncset.done $0x0  }
0x17: {  	[sflag:s9] =	ssyncadd.s32 $0xFFFFC000  }
0x18: {  	[spmem:s12], [sflag:s11] =	dma.local [hbm:s6], $0x2800  }
0x19: {  	_ =	swait.ge [sflag:s9], $0x2800  }
0x1a: {  	[sflag:s9] =	ssyncset.done $0x0  }
0x1b: {  	[sflag:s9] =	ssyncadd.s32 $0xFFFFD800  }
0x1c: {  	s15 =	simm.s32 $0x0;
	[bflag:$0x0] =	sbarrier.arrive $0xFFFF  }
0x1d: {  	[spmem:s2] =	stream.indirect.scatter.add.f32 [tilespmem:s10], [sflag:$0x1], $0x80, s15, s13, $0xb8;
	[tilespmem:$0x1A800] =	vst v63  }
0x1e: {  	_ =	swait.ge [sflag:s9], $0x4000  }
0x1f: {  	s15 =	simm.s32 $0x200;
	[sflag:s9] =	ssyncset.done $0x0  }
.LBB2_2:
0x20: {  	s16 =	sshra.s32 s15, $0x2;
	[sflag:s9] =	ssyncadd.s32 $0xFFFFC000;
	p0 =	sne.s32 s15, $0x9C00  }
0x21: {  	[spmem:s2] =	stream.indirect.scatter.add.f32 [tilespmem:s10], [sflag:$0x1], $0x80, s16, s13, $0xb8;
	[tilespmem:$0x1A800] =	vst v63  }
.Ltmp0:
0x22: {  	_ = 	snop;
	(pc) =	sbr.rel @p0 .LBB2_2-.Ltmp0, $4  }
0x23: {  	_ = 	snop  }
0x24: {  	s15 =	sadd.s32 $0x200, s15  }
0x25: {  	_ =	swait.ge [sflag:s9], $0x4000  }
0x26: {  	[sflag:s9] =	ssyncset.done $0x0  }
0x27: {  	s14 =	sadd.s32 $0x1, s14  }
0x28: {  	[sflag:s9] =	ssyncadd.s32 $0xFFFFC000;
	p0 =	sne.s32 s14, s8  }
.Ltmp1:
0x29: {  	[bflag:$0x0] =	sbarrier.arrive $0xFFFF;
	(pc) =	sbr.rel @p0 .LBB2_1-.Ltmp1, $4  }
0x2a: {  	[hbm:s7], [sflag:s11] =	dma.local [spmem:s12], $0x2800  }
0x2b: {  	_ =	swait.ge [sflag:s9], $0x2800  }
0x2c: {  	[sflag:s9] =	ssyncset.done $0x0  }
0x2d: {  	[sflag:s9] =	ssyncadd.s32 $0xFFFFD800  }
0x2e: {  	_ =	sfence.sel $0x180000  }
0x2f: {  	[bflag:$0x0] =	sbarrier.arrive $0xFFFF  }
0x30: {  	p0 =	sne.s32 s1, $0x0;
	_ =	strace $0x90000047  }
0x31: {  	s0 =	sadd.s32 @!p0 $0x100000, s0;
	[bflag:$0x2] =	sbarrier.arrive $0xFFFF  }
0x32: {  	[sflag:s0] =	ssyncadd.tile.s32 @!p0 $0x1;
	_ =	shalt  }
.Lfunc_end2:
_tile_overlayer_lowered:
.L_overlay_start_2:
0x33: {  	(tag) =	ssettag $0x2  }
0x34: {  	s0 =	rddreg [dreg:$0x0];
	s2 =	stileid.u32  }
0x35: {  	s1 =	rddreg [dreg:$0x1];
	p0 =	sne.s32 s2, $0x0  }
0x36: {  	s3 =	rddreg [dreg:$0x2];
	[bflag:$0x3] =	sbarrier.arrive $0xFFFF;
	s2 =	simm.s32 @!p0 $0x1C01  }
0x37: {  	[timem:s3], [sflag:s2] =	dma.local @!p0 [hbm:s0], s1  }
0x38: {  	s0 =	simm.s32 @!p0 $0x1  }
0x39: {  	_ =	swait.ge @!p0 [sflag:s0], s1  }
0x3a: {  	s1 =	ssub.s32 @!p0 $0x0, s1;
	[sflag:s0] =	ssyncset.done @!p0 $0x0  }
0x3b: {  	[sflag:s0] =	ssyncadd.s32 @!p0 s1  }
0x3c: {  	[bflag:$0x3] =	sbarrier.arrive $0xFFFF  }
0x3d: {  	_ =	shalt  }

// kernel: kernel.13.cloned.1.call-start
scs
__scs_entry_jumppad:
0x0: {  	(pc) =	sbr.rel $0x88, $3  }
0x1: {  	(tag) =	ssettag $0x0;
	lr =	simm.s32 $0x1  }
0x2: {  	[smem:$0x3F91] =	sst lr;
	_ =	strace $0xD0000000  }
0x3: {  	_ = 	snop  }
0x4: {  	_ = 	snop  }
0x5: {  	_ = 	snop  }
0x6: {  	_ = 	snop  }
0x7: {  	_ = 	snop  }
__scs_overlays_trampoline_lowered:
0x8: {  	[smem:$0x3FA0] =	sst s0  }
0x9: {  	[smem:$0x3FA1] =	sst s1  }
0xa: {  	[smem:$0x3FA2] =	sst s2  }
0xb: {  	[smem:$0x3FA3] =	sst s3  }
0xc: {  	[smem:$0x3FA4] =	sst s4  }
0xd: {  	[smem:$0x3FA5] =	sst s5  }
0xe: {  	[smem:$0x3FA6] =	sst s6  }
0xf: {  	[smem:$0x3FA7] =	sst s7  }
0x10: {  	[smem:$0x3FA8] =	sst s8  }
0x11: {  	[smem:$0x3FA9] =	sst s9;
	s0 =	simm.s32 @!p0 $0x0  }
0x12: {  	s1 =	sld [smem:$0x3F8F];
	s0 =	simm.s32 @p0 $0x1  }
0x13: {  	[smem:$0x3FAA] =	sst s0;
	s0 =	simm.s32 @!p1 $0x0  }
0x14: {  	s2 =	sld [smem:$0x3F8E];
	s0 =	simm.s32 @p1 $0x1  }
0x15: {  	[smem:$0x3FAB] =	sst s0;
	s0 =	simm.s32 @!p2 $0x0  }
0x16: {  	s3 =	sld [smem:$0x3FDB];
	s0 =	simm.s32 @p2 $0x1  }
0x17: {  	s4 =	simm.s32 $0x1BF5;
	[smem:$0x3FAD] =	sst s0  }
0x18: {  	s0 =	sld [smem:$0x3F90];
	_ =	swait.ge [sflag:s4], $0x0  }
0x19: {  	s7 =	sld [smem:$0x3F91]  }
0x1a: {  	s8 =	sadd.s32 $0xFFFFE003, lr  }
0x1b: {  	s9 =	sadd.s32 $0xFFFFFEF7, lr;
	s5 =	simm.s32 $0xFFFFFFFF;
	p2 =	slt.u32 s8, $0xFFFFF086  }
0x1c: {  	p1 =	slt.u32 s9, $0xF7A;
	s5 =	simm.s32 @!p2 $0x0  }
0x1d: {  	s5 =	simm.s32 @p1 $0x1;
	p0 =	seq.s32 s7, s2  }
0x1e: {  	s7 =	smul.u32 @!p0 $0xF7A, s2;
	p2 =	seq.s32 @!p0 s5, $0x0  }
0x1f: {  	s9 =	smul.u32 $0xF7A, s1;
	s8 =	simm.s32 @!p0 $0x1BF5;
	p2 =	por !p2, p0  }
0x20: {  	[sflag:s8] =	ssyncset.s32 @!p0 $0xFFFFF086;
	s6 =	sadd.s32 @!p0 s3, s7;
	s7 =	simm.s32 @!p0 $0x108  }
0x21: {  	s3 =	sadd.s32 s3, s9;
	s6 =	sadd.s32 @!p0 $0x88, s6;
	s7 =	simm.s32 @p2 $0x1082  }
0x22: {  	[simem:s7], [sflag:s8] =	dma.local @!p0 [hbm:s6], $0xF7A  }
0x23: {  	s9 =	sor.u32 $0xD0000000, s2;
	s6 =	simm.s32 $0x108;
	_ =	swait.ge @!p0 [sflag:s8], $0x0  }
0x24: {  	s3 =	sadd.s32 $0x88, s3;
	s6 =	simm.s32 @!p1 $0x1082;
	[sflag:s4] =	ssyncset.s32 $0xFFFFF086  }
0x25: {  	[simem:s6], [sflag:s4] =	dma.local [hbm:s3], $0xF7A  }
0x26: {  	[smem:$0x3F91] =	sst s1;
	(tag) =	ssettag s2;
	_ =	strace s9  }
0x27: {  	s1 =	sld [smem:$0x3FA1]  }
0x28: {  	s2 =	sld [smem:$0x3FA2]  }
0x29: {  	s4 =	sld [smem:$0x3FA4]  }
0x2a: {  	p0 =	seq.s32 s5, $0x0;
	s5 =	sld [smem:$0x3FA5]  }
0x2b: {  	s6 =	sld [smem:$0x3FA6]  }
0x2c: {  	s7 =	sld [smem:$0x3FA7]  }
0x2d: {  	s3 =	simm.s32 $0x108;
	s8 =	sld [smem:$0x3FA8]  }
0x2e: {  	s3 =	simm.s32 @!p0 $0x1082;
	s9 =	sld [smem:$0x3FA9]  }
0x2f: {  	lr =	sadd.s32 s0, s3;
	s0 =	sld [smem:$0x3FA0]  }
0x30: {  	s3 =	sld [smem:$0x3FA3]  }
0x31: {  	[smem:$0x3FAC] =	sst s10  }
0x32: {  	s10 =	sld [smem:$0x3FAA];
	_ =	sdelay $0x3  }
0x33: {  	p0 =	seq.s32 s10, $0x1;
	s10 =	sld [smem:$0x3FAC];
	_ =	sdelay $0x3  }
0x34: {  	[smem:$0x3FAC] =	sst s10  }
0x35: {  	s10 =	sld [smem:$0x3FAB];
	_ =	sdelay $0x3  }
0x36: {  	p1 =	seq.s32 s10, $0x1;
	s10 =	sld [smem:$0x3FAC];
	_ =	sdelay $0x3  }
0x37: {  	[smem:$0x3FAC] =	sst s10  }
0x38: {  	s10 =	sld [smem:$0x3FAD]  }
0x39: {  	_ = 	snop;
	(pc) =	sbr.ind lr, $3  }
0x3a: {  	_ = 	snop  }
0x3b: {  	_ = 	snop  }
0x3c: {  	p2 =	seq.s32 s10, $0x1;
	s10 =	sld [smem:$0x3FAC]  }
0x3d: {  	_ =	shalt  }
0x3e: {  	_ =	shalt  }
0x3f: {  	_ =	shalt  }
0x40: {  	_ =	shalt  }
0x41: {  	_ =	shalt  }
0x42: {  	_ =	shalt  }
0x43: {  	_ =	shalt  }
0x44: {  	_ =	shalt  }
0x45: {  	_ =	shalt  }
0x46: {  	_ =	shalt  }
0x47: {  	_ =	shalt  }
0x48: {  	_ =	shalt  }
0x49: {  	_ =	shalt  }
0x4a: {  	_ =	shalt  }
0x4b: {  	_ =	shalt  }
0x4c: {  	_ =	shalt  }
0x4d: {  	_ =	shalt  }
0x4e: {  	_ =	shalt  }
0x4f: {  	_ =	shalt  }
0x50: {  	_ =	shalt  }
0x51: {  	_ =	shalt  }
0x52: {  	_ =	shalt  }
0x53: {  	_ =	shalt  }
0x54: {  	_ =	shalt  }
0x55: {  	_ =	shalt  }
0x56: {  	_ =	shalt  }
0x57: {  	_ =	shalt  }
0x58: {  	_ =	shalt  }
0x59: {  	_ =	shalt  }
0x5a: {  	_ =	shalt  }
0x5b: {  	_ =	shalt  }
0x5c: {  	_ =	shalt  }
0x5d: {  	_ =	shalt  }
0x5e: {  	_ =	shalt  }
0x5f: {  	_ =	shalt  }
0x60: {  	_ =	shalt  }
0x61: {  	_ =	shalt  }
0x62: {  	_ =	shalt  }
0x63: {  	_ =	shalt  }
0x64: {  	_ =	shalt  }
0x65: {  	_ =	shalt  }
0x66: {  	_ =	shalt  }
0x67: {  	_ =	shalt  }
0x68: {  	_ =	shalt  }
0x69: {  	_ =	shalt  }
0x6a: {  	_ =	shalt  }
0x6b: {  	_ =	shalt  }
0x6c: {  	_ =	shalt  }
0x6d: {  	_ =	shalt  }
0x6e: {  	_ =	shalt  }
0x6f: {  	_ =	shalt  }
0x70: {  	_ =	shalt  }
0x71: {  	_ =	shalt  }
0x72: {  	_ =	shalt  }
0x73: {  	_ =	shalt  }
0x74: {  	_ =	shalt  }
0x75: {  	_ =	shalt  }
0x76: {  	_ =	shalt  }
0x77: {  	_ =	shalt  }
0x78: {  	_ =	shalt  }
0x79: {  	_ =	shalt  }
0x7a: {  	_ =	shalt  }
0x7b: {  	_ =	shalt  }
0x7c: {  	_ =	shalt  }
0x7d: {  	_ =	shalt  }
0x7e: {  	_ =	shalt  }
0x7f: {  	_ =	shalt  }
0x80: {  	_ =	shalt  }
0x81: {  	_ =	shalt  }
0x82: {  	_ =	shalt  }
0x83: {  	_ =	shalt  }
0x84: {  	_ =	shalt  }
0x85: {  	_ =	shalt  }
0x86: {  	_ =	shalt  }
0x87: {  	_ =	shalt  }
.Lfunc_end0:
.L_simem_size_0:
called_computation.1_lowered:
.L_overlay_start_0:
0x88: {  	s2 =	sld [smem:$0x3FD9]  }
0x89: {  	s3 =	sld [smem:$0x3FFE];
	_ =	sdelay $0x1  }
0x8a: {  	s1 =	srdreg.scid  }
0x8b: {  	s0 =	sand.u32 $0x1, s1  }
0x8c: {  	s17 =	sshll.u32 s0, $0xA;
	s2 =	sadd.s32 s3, s2  }
0x8d: {  	s2 =	sadd.s32 s2, s17  }
0x8e: {  	[smem:$0x3FB8] =	sst s2  }
0x8f: {  	_ = 	snop  }
0x90: {  	s2 =	sld [smem:$0x3FD0];
	(tm) =	ssettm $0x1  }
0x91: {  	s18 =	sld [smem:$0x3FFB];
	_ =	sdelay $0x3  }
0x92: {  	_ =	strace s18  }
0x93: {  	s3 =	sld [smem:$0x3FFC];
	_ =	sdelay $0x3  }
0x94: {  	_ =	strace s3  }
0x95: {  	s3 =	sld [smem:$0x3FFD];
	_ =	sdelay $0x3  }
0x96: {  	_ =	strace s3  }
0x97: {  	_ =	strace $0x8FFFFFFF  }
0x98: {  	s19 =	sld [smem:$0x3FDB];
	_ =	sdelay $0x1  }
0x99: {  	s4 =	simm.s32 $_scs_section_size  }
0x9a: {  	s5 =	simm.s32 $_size__tile_overlayer_lowered;
	s6 =	simm.s32 $_tile_overlayer_lowered  }
0x9b: {  	s22 =	simm.s32 $0x1BFF;
	s21 =	sshll.u32 s6, $0x1;
	s3 =	sadd.s32 s4, s19  }
0x9c: {  	s7 =	simm.s32 $0x0;
	s20 =	sshll.u32 s5, $0x1;
	s5 =	sadd.s32 s21, s3  }
0x9d: {  	[timem:s7], [sflag:s22] =	dma.local [hbm:s5], s20  }
0x9e: {  	_ =	swait.ge [sflag:s22], s20  }
0x9f: {  	s4 =	ssub.s32 $0x0, s20;
	[sflag:s22] =	ssyncset.done $0x0  }
0xa0: {  	[sflag:s22] =	ssyncadd.s32 s4;
	_ =	sdelay $0x1  }
0xa1: {  	s23 =	simm.s32 $0x1B8B  }
0xa2: {  	_ =	swait.ge [sflag:s23], $0x1  }
0xa3: {  	[sflag:s23] =	ssyncset.done $0x0  }
0xa4: {  	s25 =	simm.s32 $0x1B8E;
	s24 =	sld [smem:$0x3FFE];
	[sflag:s23] =	ssyncadd.s32 $0xFFFFFFFF  }
0xa5: {  	s26 =	simm.s32 $execute0_lowered;
	[smem:$0x3FD2] =	sst s25  }
0xa6: {  	s5 =	sshll.u32 s26, $0x1;
	_ =	strace $0x80000049;
	[dreg:$0x1] =	wrdreg $0xFFFFFFFF  }
0xa7: {  	s28 =	simm.s32 $_size_execute0_lowered;
	s3 =	sadd.s32 s3, s5;
	[dreg:$0x0] =	wrdreg $0x0  }
0xa8: {  	s5 =	sshll.u32 s28, $0x1;
	[dreg:$0x2] =	wrdreg s3  }
0xa9: {  	[dreg:$0x3] =	wrdreg s5  }
0xaa: {  	[dreg:$0x4] =	wrdreg $0xC0  }
0xab: {  	_ =	task [dreg:s7], $0x5FFFF  }
0xac: {  	[dreg:$0x1] =	wrdreg $0xFFFFFFFF  }
0xad: {  	[dreg:$0x0] =	wrdreg $0x60  }
0xae: {  	[dreg:$0x2] =	wrdreg s24  }
0xaf: {  	[dreg:$0x3] =	wrdreg s2  }
0xb0: {  	[dreg:$0x4] =	wrdreg $0x90000  }
0xb1: {  	[dreg:$0x5] =	wrdreg $0x9  }
0xb2: {  	_ =	task.clear_ibuf [dreg:s7], $0x6FFFF;
	_ =	strace $0x90000049  }
0xb3: {  	s29 =	simm.s32 $0x9;
	_ =	strace $0x8000004B  }
0xb4: {  	_ =	swait.ge [sflag:s29], $0x1  }
0xb5: {  	[sflag:s29] =	ssyncadd.s32 $0xFFFFFFFF  }
0xb6: {  	_ =	strace $0x9000004B  }
0xb7: {  	_ =	sfence  }
0xb8: {  	s30 =	sld [smem:$0x0];
	_ =	sdelay $0x2  }
0xb9: {  	s31 =	sshll.u32 s1, $0xD;
	s1 =	sshrl.u32 s1, $0x2  }
0xba: {  	s3 =	sand.u32 $0x4000, s31;
	s1 =	sadd.s32 s1, s30  }
0xbb: {  	s0 =	sor.u32 s3, s0;
	s1 =	sshll.u32 s1, $0x11  }
0xbc: {  	s0 =	sor.u32 s1, s0  }
0xbd: {  	s0 =	sadd.s32 $0x8F2B, s0  }
0xbe: {  	[sflag:s0] =	ssyncadd.remote.s32 $0x1  }
0xbf: {  	_ =	sfence.sel $0xFFFF  }
0xc0: {  	[dreg:$0x0] =	wrdreg $0xFFFFFFFF;
	(pc) =	sbr.abs _section_cstart, $3  }
0xc1: {  	[dreg:$0x1] =	wrdreg $0xFFFFFFFF  }
0xc2: {  	_ =	task.clear_ibuf [dreg:s7], $0x2FFFF;
	_ =	strace $0x9FFFFFFF  }
0xc3: {  	(tm) =	ssettm $0x7FFFFFFF  }
tec
execute0_lowered:
.L_overlay_start_1:
0x0: {  	(tag) =	ssettag $0x1  }
0x1: {  	s5 =	rddreg [dreg:$0x0]  }
0x2: {  	s0 =	srdreg.scid;
	s7 =	rddreg [dreg:$0x1]  }
0x3: {  	s2 =	rddreg [dreg:$0x2];
	s3 =	simm.s32 $0x0;
	s15 =	simm.s32 $0x5000  }
0x4: {  	s16 =	simm.s32 $0x1;
	s6 =	sand.u32 $0x1, s0;
	s0 =	stileid.u32  }
0x5: {  	s17 =	simm.s32 $0x0;
	[smem:$0x7FF] =	sst s3;
	s9 =	smul.u32 $0x14000, s0  }
0x6: {  	s1 =	sshll.u32 s6, $0x4;
	s10 =	smul.u32 $0x140000, s6;
	s6 =	ssub.s32 $0x2, s6  }
0x7: {  	s30 =	smul.u32 $0x50000, s0;
	s31 =	sshll.u32 s0, $0x6;
	s4 =	sor.u32 s0, s1  }
0x8: {  	s1 =	rddreg [dreg:$0x3];
	_ =	strace $0x8000004A;
	s13 =	sshrl.u32 s6, $0x1  }
0x9: {  	s8 =	smul.u32 $0x500, s4;
	s4 =	sadd.s32 $0x2BC00, s5;
	s12 =	sshrl.u32 s9, $0x3  }
0xa: {  	s9 =	sadd.s32 s9, s10;
	s13 =	ssub.s32 s6, s13;
	s10 =	sshrl.u32 s30, $0x2  }
0xb: {  	s12 =	sadd.s32 s12, s5;
	s9 =	sshrl.u32 s9, $0x3;
	s14 =	sadd.s32 s10, s2  }
0xc: {  	s10 =	simm.s32 $0x2;
	s11 =	sadd.s32 s8, s5;
	s9 =	sadd.s32 s9, s5  }
0xd: {  	s6 =	sadd.s32 s7, s8;
	s7 =	sadd.s32 $0x3C00, s12;
	s12 =	sor.u32 $0x1C02, s31  }
0xe: {  	s5 =	sadd.s32 $0x7C400, s11;
	s8 =	sadd.s32 $0x86400, s9;
	s9 =	smax.u32 s13, $0x1  }
0xf: {  	s11 =	simm.s32 $0x2800;
	s13 =	sshrl.u32 s14, $0x3;
	s14 =	simm.s32 $0x80  }
.LBB2_1:
0x10: {  	[tilespmem:s3], [sflag:$0x2] =	stream.linear.gather [hbm4b:s5+s3], $0x2780, $0x38;
	[tilespmem:$0x1D000] =	vst v63  }
0x11: {  	_ =	swait.ge [sflag:s10], $0x2780  }
0x12: {  	[sflag:s10] =	ssyncset.done $0x0  }
0x13: {  	[sflag:s10] =	ssyncadd.s32 $0xFFFFD880  }
0x14: {  	[tilespmem:s11], [sflag:$0x2] =	stream.linear.gather [hbm4b:s6+s3], $0x2780, $0x38;
	[tilespmem:$0x1D000] =	vst v63  }
0x15: {  	_ =	swait.ge [sflag:s10], $0x2780  }
0x16: {  	[sflag:s10] =	ssyncset.done $0x0  }
0x17: {  	[sflag:s10] =	ssyncadd.s32 $0xFFFFD880  }
0x18: {  	[spmem:s13], [sflag:s12] =	dma.local [hbm:s7], $0x2800  }
0x19: {  	_ =	swait.ge [sflag:s10], $0x2800  }
0x1a: {  	[sflag:s10] =	ssyncset.done $0x0  }
0x1b: {  	[sflag:s10] =	ssyncadd.s32 $0xFFFFD800  }
0x1c: {  	s18 =	simm.s32 $0x0;
	[bflag:$0x0] =	sbarrier.arrive $0xFFFF  }
0x1d: {  	[tilespmem:s15], [sflag:$0x1] =	stream.indirect.gather [hbm4b:s4+s14], $0x80, s18, s14, $0xb8;
	[tilespmem:$0x1D000] =	vst v63  }
0x1e: {  	_ =	swait.ge [sflag:s16], $0x4000  }
0x1f: {  	[sflag:s16] =	ssyncset.done $0x0  }
0x20: {  	s31 =	simm.s32 $0x2800;
	[sflag:s16] =	ssyncadd.s32 $0xFFFFC000  }
0x21: {  	[spmem:s2] =	stream.indirect.scatter.add.f32 [tilespmem:s15], [sflag:$0x2], $0x80, s31, s14, $0xb8;
	[tilespmem:$0x1D000] =	vst v63  }
0x22: {  	_ =	swait.ge [sflag:s10], $0x4000  }
0x23: {  	s19 =	simm.s32 $0x400;
	s18 =	simm.s32 $0x200;
	[sflag:s10] =	ssyncset.done $0x0  }
.LBB2_2:
0x24: {  	s20 =	sshra.s32 s18, $0x2  }
0x25: {  	[sflag:s10] =	ssyncadd.s32 $0xFFFFC000;
	s18 =	smov.u32 s19;
	s21 =	sadd.s32 $0x200, s19  }
0x26: {  	[tilespmem:s15], [sflag:$0x1] =	stream.indirect.gather [hbm4b:s4+s14], $0x80, s20, s14, $0xb8;
	[tilespmem:$0x1D000] =	vst v63  }
0x27: {  	p0 =	sne.s32 s19, $0x9C00;
	_ =	swait.ge [sflag:s16], $0x4000  }
.Ltmp0:
0x28: {  	[sflag:s16] =	ssyncset.done $0x0;
	(pc) =	sbr.rel @p0 .LBB2_2-.Ltmp0, $4  }
0x29: {  	s19 =	sadd.s32 $0x2800, s20;
	[sflag:s16] =	ssyncadd.s32 $0xFFFFC000  }
0x2a: {  	[spmem:s2] =	stream.indirect.scatter.add.f32 [tilespmem:s15], [sflag:$0x2], $0x80, s19, s14, $0xb8;
	[tilespmem:$0x1D000] =	vst v63  }
0x2b: {  	_ =	swait.ge [sflag:s10], $0x4000  }
0x2c: {  	s19 =	smov.u32 s21;
	[sflag:s10] =	ssyncset.done $0x0  }
0x2d: {  	s18 =	sshra.s32 s18, $0x2;
	[sflag:s10] =	ssyncadd.s32 $0xFFFFC000  }
0x2e: {  	[tilespmem:s15], [sflag:$0x1] =	stream.indirect.gather [hbm4b:s4+s14], $0x80, s18, s14, $0xb8;
	[tilespmem:$0x1D000] =	vst v63  }
0x2f: {  	_ =	swait.ge [sflag:s16], $0x4000  }
0x30: {  	[sflag:s16] =	ssyncset.done $0x0  }
0x31: {  	s18 =	sadd.s32 $0x2800, s18;
	[sflag:s16] =	ssyncadd.s32 $0xFFFFC000  }
0x32: {  	[spmem:s2] =	stream.indirect.scatter.add.f32 [tilespmem:s15], [sflag:$0x2], $0x80, s18, s14, $0xb8;
	[tilespmem:$0x1D000] =	vst v63  }
0x33: {  	_ =	swait.ge [sflag:s10], $0x4000  }
0x34: {  	s17 =	sadd.s32 $0x1, s17;
	[sflag:s10] =	ssyncset.done $0x0  }
0x35: {  	p0 =	sne.s32 s17, s9;
	[sflag:s10] =	ssyncadd.s32 $0xFFFFC000  }
.Ltmp1:
0x36: {  	[bflag:$0x0] =	sbarrier.arrive $0xFFFF;
	(pc) =	sbr.rel @p0 .LBB2_1-.Ltmp1, $4  }
0x37: {  	[hbm:s8], [sflag:s12] =	dma.local [spmem:s13], $0x2800  }
0x38: {  	_ =	swait.ge [sflag:s10], $0x2800  }
0x39: {  	[sflag:s10] =	ssyncset.done $0x0  }
0x3a: {  	[sflag:s10] =	ssyncadd.s32 $0xFFFFD800  }
0x3b: {  	_ =	sfence.sel $0x180000  }
0x3c: {  	[bflag:$0x0] =	sbarrier.arrive $0xFFFF  }
0x3d: {  	p0 =	sne.s32 s0, $0x0;
	_ =	strace $0x9000004A  }
0x3e: {  	s0 =	sadd.s32 @!p0 $0x100000, s1;
	[bflag:$0x2] =	sbarrier.arrive $0xFFFF  }
0x3f: {  	[sflag:s0] =	ssyncadd.tile.s32 @!p0 $0x1;
	_ =	shalt  }
.Lfunc_end2:
_tile_overlayer_lowered:
.L_overlay_start_2:
0x40: {  	(tag) =	ssettag $0x2  }
0x41: {  	s0 =	rddreg [dreg:$0x0];
	s2 =	stileid.u32  }
0x42: {  	s1 =	rddreg [dreg:$0x1];
	p0 =	sne.s32 s2, $0x0  }
0x43: {  	s3 =	rddreg [dreg:$0x2];
	[bflag:$0x3] =	sbarrier.arrive $0xFFFF;
	s2 =	simm.s32 @!p0 $0x1C02  }
0x44: {  	[timem:s3], [sflag:s2] =	dma.local @!p0 [hbm:s0], s1  }
0x45: {  	s0 =	simm.s32 @!p0 $0x2  }
0x46: {  	_ =	swait.ge @!p0 [sflag:s0], s1  }
0x47: {  	s1 =	ssub.s32 @!p0 $0x0, s1;
	[sflag:s0] =	ssyncset.done @!p0 $0x0  }
0x48: {  	[sflag:s0] =	ssyncadd.s32 @!p0 s1  }
0x49: {  	[bflag:$0x3] =	sbarrier.arrive $0xFFFF  }
0x4a: {  	_ =	shalt  }

// kernel: kernel.16.cloned.1.call-start
scs
__scs_entry_jumppad:
0x0: {  	(pc) =	sbr.rel $0x88, $3  }
0x1: {  	(tag) =	ssettag $0x0;
	lr =	simm.s32 $0x1  }
0x2: {  	[smem:$0x3F91] =	sst lr;
	_ =	strace $0xD0000000  }
0x3: {  	_ = 	snop  }
0x4: {  	_ = 	snop  }
0x5: {  	_ = 	snop  }
0x6: {  	_ = 	snop  }
0x7: {  	_ = 	snop  }
__scs_overlays_trampoline_lowered:
0x8: {  	[smem:$0x3FA0] =	sst s0  }
0x9: {  	[smem:$0x3FA1] =	sst s1  }
0xa: {  	[smem:$0x3FA2] =	sst s2  }
0xb: {  	[smem:$0x3FA3] =	sst s3  }
0xc: {  	[smem:$0x3FA4] =	sst s4  }
0xd: {  	[smem:$0x3FA5] =	sst s5  }
0xe: {  	[smem:$0x3FA6] =	sst s6  }
0xf: {  	[smem:$0x3FA7] =	sst s7  }
0x10: {  	[smem:$0x3FA8] =	sst s8  }
0x11: {  	[smem:$0x3FA9] =	sst s9;
	s0 =	simm.s32 @!p0 $0x0  }
0x12: {  	s1 =	sld [smem:$0x3F8F];
	s0 =	simm.s32 @p0 $0x1  }
0x13: {  	[smem:$0x3FAA] =	sst s0;
	s0 =	simm.s32 @!p1 $0x0  }
0x14: {  	s2 =	sld [smem:$0x3F8E];
	s0 =	simm.s32 @p1 $0x1  }
0x15: {  	[smem:$0x3FAB] =	sst s0;
	s0 =	simm.s32 @!p2 $0x0  }
0x16: {  	s3 =	sld [smem:$0x3FDB];
	s0 =	simm.s32 @p2 $0x1  }
0x17: {  	s4 =	simm.s32 $0x1BF5;
	[smem:$0x3FAD] =	sst s0  }
0x18: {  	s0 =	sld [smem:$0x3F90];
	_ =	swait.ge [sflag:s4], $0x0  }
0x19: {  	s7 =	sld [smem:$0x3F91]  }
0x1a: {  	s8 =	sadd.s32 $0xFFFFE003, lr  }
0x1b: {  	s9 =	sadd.s32 $0xFFFFFEF7, lr;
	s5 =	simm.s32 $0xFFFFFFFF;
	p2 =	slt.u32 s8, $0xFFFFF086  }
0x1c: {  	p1 =	slt.u32 s9, $0xF7A;
	s5 =	simm.s32 @!p2 $0x0  }
0x1d: {  	s5 =	simm.s32 @p1 $0x1;
	p0 =	seq.s32 s7, s2  }
0x1e: {  	s7 =	smul.u32 @!p0 $0xF7A, s2;
	p2 =	seq.s32 @!p0 s5, $0x0  }
0x1f: {  	s9 =	smul.u32 $0xF7A, s1;
	s8 =	simm.s32 @!p0 $0x1BF5;
	p2 =	por !p2, p0  }
0x20: {  	[sflag:s8] =	ssyncset.s32 @!p0 $0xFFFFF086;
	s6 =	sadd.s32 @!p0 s3, s7;
	s7 =	simm.s32 @!p0 $0x108  }
0x21: {  	s3 =	sadd.s32 s3, s9;
	s6 =	sadd.s32 @!p0 $0x88, s6;
	s7 =	simm.s32 @p2 $0x1082  }
0x22: {  	[simem:s7], [sflag:s8] =	dma.local @!p0 [hbm:s6], $0xF7A  }
0x23: {  	s9 =	sor.u32 $0xD0000000, s2;
	s6 =	simm.s32 $0x108;
	_ =	swait.ge @!p0 [sflag:s8], $0x0  }
0x24: {  	s3 =	sadd.s32 $0x88, s3;
	s6 =	simm.s32 @!p1 $0x1082;
	[sflag:s4] =	ssyncset.s32 $0xFFFFF086  }
0x25: {  	[simem:s6], [sflag:s4] =	dma.local [hbm:s3], $0xF7A  }
0x26: {  	[smem:$0x3F91] =	sst s1;
	(tag) =	ssettag s2;
	_ =	strace s9  }
0x27: {  	s1 =	sld [smem:$0x3FA1]  }
0x28: {  	s2 =	sld [smem:$0x3FA2]  }
0x29: {  	s4 =	sld [smem:$0x3FA4]  }
0x2a: {  	p0 =	seq.s32 s5, $0x0;
	s5 =	sld [smem:$0x3FA5]  }
0x2b: {  	s6 =	sld [smem:$0x3FA6]  }
0x2c: {  	s7 =	sld [smem:$0x3FA7]  }
0x2d: {  	s3 =	simm.s32 $0x108;
	s8 =	sld [smem:$0x3FA8]  }
0x2e: {  	s3 =	simm.s32 @!p0 $0x1082;
	s9 =	sld [smem:$0x3FA9]  }
0x2f: {  	lr =	sadd.s32 s0, s3;
	s0 =	sld [smem:$0x3FA0]  }
0x30: {  	s3 =	sld [smem:$0x3FA3]  }
0x31: {  	[smem:$0x3FAC] =	sst s10  }
0x32: {  	s10 =	sld [smem:$0x3FAA];
	_ =	sdelay $0x3  }
0x33: {  	p0 =	seq.s32 s10, $0x1;
	s10 =	sld [smem:$0x3FAC];
	_ =	sdelay $0x3  }
0x34: {  	[smem:$0x3FAC] =	sst s10  }
0x35: {  	s10 =	sld [smem:$0x3FAB];
	_ =	sdelay $0x3  }
0x36: {  	p1 =	seq.s32 s10, $0x1;
	s10 =	sld [smem:$0x3FAC];
	_ =	sdelay $0x3  }
0x37: {  	[smem:$0x3FAC] =	sst s10  }
0x38: {  	s10 =	sld [smem:$0x3FAD]  }
0x39: {  	_ = 	snop;
	(pc) =	sbr.ind lr, $3  }
0x3a: {  	_ = 	snop  }
0x3b: {  	_ = 	snop  }
0x3c: {  	p2 =	seq.s32 s10, $0x1;
	s10 =	sld [smem:$0x3FAC]  }
0x3d: {  	_ =	shalt  }
0x3e: {  	_ =	shalt  }
0x3f: {  	_ =	shalt  }
0x40: {  	_ =	shalt  }
0x41: {  	_ =	shalt  }
0x42: {  	_ =	shalt  }
0x43: {  	_ =	shalt  }
0x44: {  	_ =	shalt  }
0x45: {  	_ =	shalt  }
0x46: {  	_ =	shalt  }
0x47: {  	_ =	shalt  }
0x48: {  	_ =	shalt  }
0x49: {  	_ =	shalt  }
0x4a: {  	_ =	shalt  }
0x4b: {  	_ =	shalt  }
0x4c: {  	_ =	shalt  }
0x4d: {  	_ =	shalt  }
0x4e: {  	_ =	shalt  }
0x4f: {  	_ =	shalt  }
0x50: {  	_ =	shalt  }
0x51: {  	_ =	shalt  }
0x52: {  	_ =	shalt  }
0x53: {  	_ =	shalt  }
0x54: {  	_ =	shalt  }
0x55: {  	_ =	shalt  }
0x56: {  	_ =	shalt  }
0x57: {  	_ =	shalt  }
0x58: {  	_ =	shalt  }
0x59: {  	_ =	shalt  }
0x5a: {  	_ =	shalt  }
0x5b: {  	_ =	shalt  }
0x5c: {  	_ =	shalt  }
0x5d: {  	_ =	shalt  }
0x5e: {  	_ =	shalt  }
0x5f: {  	_ =	shalt  }
0x60: {  	_ =	shalt  }
0x61: {  	_ =	shalt  }
0x62: {  	_ =	shalt  }
0x63: {  	_ =	shalt  }
0x64: {  	_ =	shalt  }
0x65: {  	_ =	shalt  }
0x66: {  	_ =	shalt  }
0x67: {  	_ =	shalt  }
0x68: {  	_ =	shalt  }
0x69: {  	_ =	shalt  }
0x6a: {  	_ =	shalt  }
0x6b: {  	_ =	shalt  }
0x6c: {  	_ =	shalt  }
0x6d: {  	_ =	shalt  }
0x6e: {  	_ =	shalt  }
0x6f: {  	_ =	shalt  }
0x70: {  	_ =	shalt  }
0x71: {  	_ =	shalt  }
0x72: {  	_ =	shalt  }
0x73: {  	_ =	shalt  }
0x74: {  	_ =	shalt  }
0x75: {  	_ =	shalt  }
0x76: {  	_ =	shalt  }
0x77: {  	_ =	shalt  }
0x78: {  	_ =	shalt  }
0x79: {  	_ =	shalt  }
0x7a: {  	_ =	shalt  }
0x7b: {  	_ =	shalt  }
0x7c: {  	_ =	shalt  }
0x7d: {  	_ =	shalt  }
0x7e: {  	_ =	shalt  }
0x7f: {  	_ =	shalt  }
0x80: {  	_ =	shalt  }
0x81: {  	_ =	shalt  }
0x82: {  	_ =	shalt  }
0x83: {  	_ =	shalt  }
0x84: {  	_ =	shalt  }
0x85: {  	_ =	shalt  }
0x86: {  	_ =	shalt  }
0x87: {  	_ =	shalt  }
.Lfunc_end0:
.L_simem_size_0:
called_computation.2_lowered:
.L_overlay_start_0:
0x88: {  	s2 =	sld [smem:$0x3FD9]  }
0x89: {  	s3 =	sld [smem:$0x3FFE];
	_ =	sdelay $0x1  }
0x8a: {  	s1 =	srdreg.scid  }
0x8b: {  	s0 =	sand.u32 $0x1, s1  }
0x8c: {  	s17 =	sshll.u32 s0, $0xA;
	s2 =	sadd.s32 s3, s2  }
0x8d: {  	s2 =	sadd.s32 s2, s17  }
0x8e: {  	[smem:$0x3FB8] =	sst s2  }
0x8f: {  	_ = 	snop  }
0x90: {  	s2 =	sld [smem:$0x3FD0];
	(tm) =	ssettm $0x1  }
0x91: {  	s18 =	sld [smem:$0x3FFB];
	_ =	sdelay $0x3  }
0x92: {  	_ =	strace s18  }
0x93: {  	s3 =	sld [smem:$0x3FFC];
	_ =	sdelay $0x3  }
0x94: {  	_ =	strace s3  }
0x95: {  	s3 =	sld [smem:$0x3FFD];
	_ =	sdelay $0x3  }
0x96: {  	_ =	strace s3  }
0x97: {  	_ =	strace $0x8FFFFFFF  }
0x98: {  	s19 =	sld [smem:$0x3FDB];
	_ =	sdelay $0x1  }
0x99: {  	s4 =	simm.s32 $_scs_section_size  }
0x9a: {  	s5 =	simm.s32 $_size__tile_overlayer_lowered;
	s6 =	simm.s32 $_tile_overlayer_lowered  }
0x9b: {  	s22 =	simm.s32 $0x1BFF;
	s21 =	sshll.u32 s6, $0x1;
	s3 =	sadd.s32 s4, s19  }
0x9c: {  	s7 =	simm.s32 $0x0;
	s20 =	sshll.u32 s5, $0x1;
	s5 =	sadd.s32 s21, s3  }
0x9d: {  	[timem:s7], [sflag:s22] =	dma.local [hbm:s5], s20  }
0x9e: {  	_ =	swait.ge [sflag:s22], s20  }
0x9f: {  	s4 =	ssub.s32 $0x0, s20;
	[sflag:s22] =	ssyncset.done $0x0  }
0xa0: {  	[sflag:s22] =	ssyncadd.s32 s4;
	_ =	sdelay $0x1  }
0xa1: {  	s23 =	simm.s32 $0x1B8B  }
0xa2: {  	_ =	swait.ge [sflag:s23], $0x1  }
0xa3: {  	[sflag:s23] =	ssyncset.done $0x0  }
0xa4: {  	s25 =	simm.s32 $0x1B8E;
	s24 =	sld [smem:$0x3FFE];
	[sflag:s23] =	ssyncadd.s32 $0xFFFFFFFF  }
0xa5: {  	s26 =	simm.s32 $execute0_lowered;
	[smem:$0x3FD2] =	sst s25  }
0xa6: {  	s5 =	sshll.u32 s26, $0x1;
	_ =	strace $0x8000004C;
	[dreg:$0x1] =	wrdreg $0xFFFFFFFF  }
0xa7: {  	s28 =	simm.s32 $_size_execute0_lowered;
	s3 =	sadd.s32 s3, s5;
	[dreg:$0x0] =	wrdreg $0x0  }
0xa8: {  	s5 =	sshll.u32 s28, $0x1;
	[dreg:$0x2] =	wrdreg s3  }
0xa9: {  	[dreg:$0x3] =	wrdreg s5  }
0xaa: {  	[dreg:$0x4] =	wrdreg $0xC0  }
0xab: {  	_ =	task [dreg:s7], $0x5FFFF  }
0xac: {  	[dreg:$0x1] =	wrdreg $0xFFFFFFFF  }
0xad: {  	[dreg:$0x0] =	wrdreg $0x60  }
0xae: {  	[dreg:$0x2] =	wrdreg s24  }
0xaf: {  	[dreg:$0x3] =	wrdreg s2  }
0xb0: {  	[dreg:$0x4] =	wrdreg $0x90000  }
0xb1: {  	[dreg:$0x5] =	wrdreg $0x9  }
0xb2: {  	_ =	task.clear_ibuf [dreg:s7], $0x6FFFF;
	_ =	strace $0x9000004C  }
0xb3: {  	s29 =	simm.s32 $0x9;
	_ =	strace $0x8000004E  }
0xb4: {  	_ =	swait.ge [sflag:s29], $0x1  }
0xb5: {  	[sflag:s29] =	ssyncadd.s32 $0xFFFFFFFF  }
0xb6: {  	_ =	strace $0x9000004E  }
0xb7: {  	_ =	sfence  }
0xb8: {  	s30 =	sld [smem:$0x0];
	_ =	sdelay $0x2  }
0xb9: {  	s31 =	sshll.u32 s1, $0xD;
	s1 =	sshrl.u32 s1, $0x2  }
0xba: {  	s3 =	sand.u32 $0x4000, s31;
	s1 =	sadd.s32 s1, s30  }
0xbb: {  	s0 =	sor.u32 s3, s0;
	s1 =	sshll.u32 s1, $0x11  }
0xbc: {  	s0 =	sor.u32 s1, s0  }
0xbd: {  	s0 =	sadd.s32 $0x8F2B, s0  }
0xbe: {  	[sflag:s0] =	ssyncadd.remote.s32 $0x1  }
0xbf: {  	_ =	sfence.sel $0xFFFF  }
0xc0: {  	[dreg:$0x0] =	wrdreg $0xFFFFFFFF;
	(pc) =	sbr.abs _section_cstart, $3  }
0xc1: {  	[dreg:$0x1] =	wrdreg $0xFFFFFFFF  }
0xc2: {  	_ =	task.clear_ibuf [dreg:s7], $0x2FFFF;
	_ =	strace $0x9FFFFFFF  }
0xc3: {  	(tm) =	ssettm $0x7FFFFFFF  }
tec
execute0_lowered:
.L_overlay_start_1:
0x0: {  	(tag) =	ssettag $0x1  }
0x1: {  	s5 =	rddreg [dreg:$0x0]  }
0x2: {  	s0 =	srdreg.scid;
	s7 =	rddreg [dreg:$0x1]  }
0x3: {  	s2 =	rddreg [dreg:$0x2];
	s3 =	simm.s32 $0x0;
	s15 =	simm.s32 $0x5000  }
0x4: {  	s16 =	simm.s32 $0x1;
	s6 =	sand.u32 $0x1, s0;
	s0 =	stileid.u32  }
0x5: {  	s17 =	simm.s32 $0x0;
	[smem:$0x7FF] =	sst s3;
	s9 =	smul.u32 $0x14000, s0  }
0x6: {  	s1 =	sshll.u32 s6, $0x4;
	s10 =	smul.u32 $0x140000, s6;
	s6 =	ssub.s32 $0x2, s6  }
0x7: {  	s30 =	smul.u32 $0x50000, s0;
	s31 =	sshll.u32 s0, $0x6;
	s4 =	sor.u32 s0, s1  }
0x8: {  	s1 =	rddreg [dreg:$0x3];
	_ =	strace $0x8000004D;
	s13 =	sshrl.u32 s6, $0x1  }
0x9: {  	s8 =	smul.u32 $0x500, s4;
	s4 =	sadd.s32 $0x2BC00, s5;
	s12 =	sshrl.u32 s9, $0x3  }
0xa: {  	s9 =	sadd.s32 s9, s10;
	s13 =	ssub.s32 s6, s13;
	s10 =	sshrl.u32 s30, $0x2  }
0xb: {  	s12 =	sadd.s32 s12, s5;
	s9 =	sshrl.u32 s9, $0x3;
	s14 =	sadd.s32 s10, s2  }
0xc: {  	s10 =	simm.s32 $0x2;
	s11 =	sadd.s32 s8, s5;
	s9 =	sadd.s32 s9, s5  }
0xd: {  	s6 =	sadd.s32 s7, s8;
	s7 =	sadd.s32 $0x3C00, s12;
	s12 =	sor.u32 $0x1C02, s31  }
0xe: {  	s5 =	sadd.s32 $0x7C400, s11;
	s8 =	sadd.s32 $0x86400, s9;
	s9 =	smax.u32 s13, $0x1  }
0xf: {  	s11 =	simm.s32 $0x2800;
	s13 =	sshrl.u32 s14, $0x3;
	s14 =	simm.s32 $0x80  }
.LBB2_1:
0x10: {  	[tilespmem:s3], [sflag:$0x2] =	stream.linear.gather [hbm4b:s5+s3], $0x2780, $0x38;
	[tilespmem:$0x1D000] =	vst v63  }
0x11: {  	_ =	swait.ge [sflag:s10], $0x2780  }
0x12: {  	[sflag:s10] =	ssyncset.done $0x0  }
0x13: {  	[sflag:s10] =	ssyncadd.s32 $0xFFFFD880  }
0x14: {  	[tilespmem:s11], [sflag:$0x2] =	stream.linear.gather [hbm4b:s6+s3], $0x2780, $0x38;
	[tilespmem:$0x1D000] =	vst v63  }
0x15: {  	_ =	swait.ge [sflag:s10], $0x2780  }
0x16: {  	[sflag:s10] =	ssyncset.done $0x0  }
0x17: {  	[sflag:s10] =	ssyncadd.s32 $0xFFFFD880  }
0x18: {  	[spmem:s13], [sflag:s12] =	dma.local [hbm:s7], $0x2800  }
0x19: {  	_ =	swait.ge [sflag:s10], $0x2800  }
0x1a: {  	[sflag:s10] =	ssyncset.done $0x0  }
0x1b: {  	[sflag:s10] =	ssyncadd.s32 $0xFFFFD800  }
0x1c: {  	s18 =	simm.s32 $0x0;
	[bflag:$0x0] =	sbarrier.arrive $0xFFFF  }
0x1d: {  	[tilespmem:s15], [sflag:$0x1] =	stream.indirect.gather [hbm4b:s4+s14], $0x80, s18, s14, $0xb8;
	[tilespmem:$0x1D000] =	vst v63  }
0x1e: {  	_ =	swait.ge [sflag:s16], $0x4000  }
0x1f: {  	[sflag:s16] =	ssyncset.done $0x0  }
0x20: {  	s31 =	simm.s32 $0x2800;
	[sflag:s16] =	ssyncadd.s32 $0xFFFFC000  }
0x21: {  	[spmem:s2] =	stream.indirect.scatter.add.f32 [tilespmem:s15], [sflag:$0x2], $0x80, s31, s14, $0xb8;
	[tilespmem:$0x1D000] =	vst v63  }
0x22: {  	_ =	swait.ge [sflag:s10], $0x4000  }
0x23: {  	s19 =	simm.s32 $0x400;
	s18 =	simm.s32 $0x200;
	[sflag:s10] =	ssyncset.done $0x0  }
.LBB2_2:
0x24: {  	s20 =	sshra.s32 s18, $0x2  }
0x25: {  	[sflag:s10] =	ssyncadd.s32 $0xFFFFC000;
	s18 =	smov.u32 s19;
	s21 =	sadd.s32 $0x200, s19  }
0x26: {  	[tilespmem:s15], [sflag:$0x1] =	stream.indirect.gather [hbm4b:s4+s14], $0x80, s20, s14, $0xb8;
	[tilespmem:$0x1D000] =	vst v63  }
0x27: {  	p0 =	sne.s32 s19, $0x9C00;
	_ =	swait.ge [sflag:s16], $0x4000  }
.Ltmp0:
0x28: {  	[sflag:s16] =	ssyncset.done $0x0;
	(pc) =	sbr.rel @p0 .LBB2_2-.Ltmp0, $4  }
0x29: {  	s19 =	sadd.s32 $0x2800, s20;
	[sflag:s16] =	ssyncadd.s32 $0xFFFFC000  }
0x2a: {  	[spmem:s2] =	stream.indirect.scatter.add.f32 [tilespmem:s15], [sflag:$0x2], $0x80, s19, s14, $0xb8;
	[tilespmem:$0x1D000] =	vst v63  }
0x2b: {  	_ =	swait.ge [sflag:s10], $0x4000  }
0x2c: {  	s19 =	smov.u32 s21;
	[sflag:s10] =	ssyncset.done $0x0  }
0x2d: {  	s18 =	sshra.s32 s18, $0x2;
	[sflag:s10] =	ssyncadd.s32 $0xFFFFC000  }
0x2e: {  	[tilespmem:s15], [sflag:$0x1] =	stream.indirect.gather [hbm4b:s4+s14], $0x80, s18, s14, $0xb8;
	[tilespmem:$0x1D000] =	vst v63  }
0x2f: {  	_ =	swait.ge [sflag:s16], $0x4000  }
0x30: {  	[sflag:s16] =	ssyncset.done $0x0  }
0x31: {  	s18 =	sadd.s32 $0x2800, s18;
	[sflag:s16] =	ssyncadd.s32 $0xFFFFC000  }
0x32: {  	[spmem:s2] =	stream.indirect.scatter.add.f32 [tilespmem:s15], [sflag:$0x2], $0x80, s18, s14, $0xb8;
	[tilespmem:$0x1D000] =	vst v63  }
0x33: {  	_ =	swait.ge [sflag:s10], $0x4000  }
0x34: {  	s17 =	sadd.s32 $0x1, s17;
	[sflag:s10] =	ssyncset.done $0x0  }
0x35: {  	p0 =	sne.s32 s17, s9;
	[sflag:s10] =	ssyncadd.s32 $0xFFFFC000  }
.Ltmp1:
0x36: {  	[bflag:$0x0] =	sbarrier.arrive $0xFFFF;
	(pc) =	sbr.rel @p0 .LBB2_1-.Ltmp1, $4  }
0x37: {  	[hbm:s8], [sflag:s12] =	dma.local [spmem:s13], $0x2800  }
0x38: {  	_ =	swait.ge [sflag:s10], $0x2800  }
0x39: {  	[sflag:s10] =	ssyncset.done $0x0  }
0x3a: {  	[sflag:s10] =	ssyncadd.s32 $0xFFFFD800  }
0x3b: {  	_ =	sfence.sel $0x180000  }
0x3c: {  	[bflag:$0x0] =	sbarrier.arrive $0xFFFF  }
0x3d: {  	p0 =	sne.s32 s0, $0x0;
	_ =	strace $0x9000004D  }
0x3e: {  	s0 =	sadd.s32 @!p0 $0x100000, s1;
	[bflag:$0x2] =	sbarrier.arrive $0xFFFF  }
0x3f: {  	[sflag:s0] =	ssyncadd.tile.s32 @!p0 $0x1;
	_ =	shalt  }
.Lfunc_end2:
_tile_overlayer_lowered:
.L_overlay_start_2:
0x40: {  	(tag) =	ssettag $0x2  }
0x41: {  	s0 =	rddreg [dreg:$0x0];
	s2 =	stileid.u32  }
0x42: {  	s1 =	rddreg [dreg:$0x1];
	p0 =	sne.s32 s2, $0x0  }
0x43: {  	s3 =	rddreg [dreg:$0x2];
	[bflag:$0x3] =	sbarrier.arrive $0xFFFF;
	s2 =	simm.s32 @!p0 $0x1C02  }
0x44: {  	[timem:s3], [sflag:s2] =	dma.local @!p0 [hbm:s0], s1  }
0x45: {  	s0 =	simm.s32 @!p0 $0x2  }
0x46: {  	_ =	swait.ge @!p0 [sflag:s0], s1  }
0x47: {  	s1 =	ssub.s32 @!p0 $0x0, s1;
	[sflag:s0] =	ssyncset.done @!p0 $0x0  }
0x48: {  	[sflag:s0] =	ssyncadd.s32 @!p0 s1  }
0x49: {  	[bflag:$0x3] =	sbarrier.arrive $0xFFFF  }
0x4a: {  	_ =	shalt  }

// kernel: kernel.19.cloned.1.call-start
scs
__scs_entry_jumppad:
0x0: {  	(pc) =	sbr.rel $0x88, $3  }
0x1: {  	(tag) =	ssettag $0x0;
	lr =	simm.s32 $0x1  }
0x2: {  	[smem:$0x3F91] =	sst lr;
	_ =	strace $0xD0000000  }
0x3: {  	_ = 	snop  }
0x4: {  	_ = 	snop  }
0x5: {  	_ = 	snop  }
0x6: {  	_ = 	snop  }
0x7: {  	_ = 	snop  }
__scs_overlays_trampoline_lowered:
0x8: {  	[smem:$0x3FA0] =	sst s0  }
0x9: {  	[smem:$0x3FA1] =	sst s1  }
0xa: {  	[smem:$0x3FA2] =	sst s2  }
0xb: {  	[smem:$0x3FA3] =	sst s3  }
0xc: {  	[smem:$0x3FA4] =	sst s4  }
0xd: {  	[smem:$0x3FA5] =	sst s5  }
0xe: {  	[smem:$0x3FA6] =	sst s6  }
0xf: {  	[smem:$0x3FA7] =	sst s7  }
0x10: {  	[smem:$0x3FA8] =	sst s8  }
0x11: {  	[smem:$0x3FA9] =	sst s9;
	s0 =	simm.s32 @!p0 $0x0  }
0x12: {  	s1 =	sld [smem:$0x3F8F];
	s0 =	simm.s32 @p0 $0x1  }
0x13: {  	[smem:$0x3FAA] =	sst s0;
	s0 =	simm.s32 @!p1 $0x0  }
0x14: {  	s2 =	sld [smem:$0x3F8E];
	s0 =	simm.s32 @p1 $0x1  }
0x15: {  	[smem:$0x3FAB] =	sst s0;
	s0 =	simm.s32 @!p2 $0x0  }
0x16: {  	s3 =	sld [smem:$0x3FDB];
	s0 =	simm.s32 @p2 $0x1  }
0x17: {  	s4 =	simm.s32 $0x1BF5;
	[smem:$0x3FAD] =	sst s0  }
0x18: {  	s0 =	sld [smem:$0x3F90];
	_ =	swait.ge [sflag:s4], $0x0  }
0x19: {  	s7 =	sld [smem:$0x3F91]  }
0x1a: {  	s8 =	sadd.s32 $0xFFFFE003, lr  }
0x1b: {  	s9 =	sadd.s32 $0xFFFFFEF7, lr;
	s5 =	simm.s32 $0xFFFFFFFF;
	p2 =	slt.u32 s8, $0xFFFFF086  }
0x1c: {  	p1 =	slt.u32 s9, $0xF7A;
	s5 =	simm.s32 @!p2 $0x0  }
0x1d: {  	s5 =	simm.s32 @p1 $0x1;
	p0 =	seq.s32 s7, s2  }
0x1e: {  	s7 =	smul.u32 @!p0 $0xF7A, s2;
	p2 =	seq.s32 @!p0 s5, $0x0  }
0x1f: {  	s9 =	smul.u32 $0xF7A, s1;
	s8 =	simm.s32 @!p0 $0x1BF5;
	p2 =	por !p2, p0  }
0x20: {  	[sflag:s8] =	ssyncset.s32 @!p0 $0xFFFFF086;
	s6 =	sadd.s32 @!p0 s3, s7;
	s7 =	simm.s32 @!p0 $0x108  }
0x21: {  	s3 =	sadd.s32 s3, s9;
	s6 =	sadd.s32 @!p0 $0x88, s6;
	s7 =	simm.s32 @p2 $0x1082  }
0x22: {  	[simem:s7], [sflag:s8] =	dma.local @!p0 [hbm:s6], $0xF7A  }
0x23: {  	s9 =	sor.u32 $0xD0000000, s2;
	s6 =	simm.s32 $0x108;
	_ =	swait.ge @!p0 [sflag:s8], $0x0  }
0x24: {  	s3 =	sadd.s32 $0x88, s3;
	s6 =	simm.s32 @!p1 $0x1082;
	[sflag:s4] =	ssyncset.s32 $0xFFFFF086  }
0x25: {  	[simem:s6], [sflag:s4] =	dma.local [hbm:s3], $0xF7A  }
0x26: {  	[smem:$0x3F91] =	sst s1;
	(tag) =	ssettag s2;
	_ =	strace s9  }
0x27: {  	s1 =	sld [smem:$0x3FA1]  }
0x28: {  	s2 =	sld [smem:$0x3FA2]  }
0x29: {  	s4 =	sld [smem:$0x3FA4]  }
0x2a: {  	p0 =	seq.s32 s5, $0x0;
	s5 =	sld [smem:$0x3FA5]  }
0x2b: {  	s6 =	sld [smem:$0x3FA6]  }
0x2c: {  	s7 =	sld [smem:$0x3FA7]  }
0x2d: {  	s3 =	simm.s32 $0x108;
	s8 =	sld [smem:$0x3FA8]  }
0x2e: {  	s3 =	simm.s32 @!p0 $0x1082;
	s9 =	sld [smem:$0x3FA9]  }
0x2f: {  	lr =	sadd.s32 s0, s3;
	s0 =	sld [smem:$0x3FA0]  }
0x30: {  	s3 =	sld [smem:$0x3FA3]  }
0x31: {  	[smem:$0x3FAC] =	sst s10  }
0x32: {  	s10 =	sld [smem:$0x3FAA];
	_ =	sdelay $0x3  }
0x33: {  	p0 =	seq.s32 s10, $0x1;
	s10 =	sld [smem:$0x3FAC];
	_ =	sdelay $0x3  }
0x34: {  	[smem:$0x3FAC] =	sst s10  }
0x35: {  	s10 =	sld [smem:$0x3FAB];
	_ =	sdelay $0x3  }
0x36: {  	p1 =	seq.s32 s10, $0x1;
	s10 =	sld [smem:$0x3FAC];
	_ =	sdelay $0x3  }
0x37: {  	[smem:$0x3FAC] =	sst s10  }
0x38: {  	s10 =	sld [smem:$0x3FAD]  }
0x39: {  	_ = 	snop;
	(pc) =	sbr.ind lr, $3  }
0x3a: {  	_ = 	snop  }
0x3b: {  	_ = 	snop  }
0x3c: {  	p2 =	seq.s32 s10, $0x1;
	s10 =	sld [smem:$0x3FAC]  }
0x3d: {  	_ =	shalt  }
0x3e: {  	_ =	shalt  }
0x3f: {  	_ =	shalt  }
0x40: {  	_ =	shalt  }
0x41: {  	_ =	shalt  }
0x42: {  	_ =	shalt  }
0x43: {  	_ =	shalt  }
0x44: {  	_ =	shalt  }
0x45: {  	_ =	shalt  }
0x46: {  	_ =	shalt  }
0x47: {  	_ =	shalt  }
0x48: {  	_ =	shalt  }
0x49: {  	_ =	shalt  }
0x4a: {  	_ =	shalt  }
0x4b: {  	_ =	shalt  }
0x4c: {  	_ =	shalt  }
0x4d: {  	_ =	shalt  }
0x4e: {  	_ =	shalt  }
0x4f: {  	_ =	shalt  }
0x50: {  	_ =	shalt  }
0x51: {  	_ =	shalt  }
0x52: {  	_ =	shalt  }
0x53: {  	_ =	shalt  }
0x54: {  	_ =	shalt  }
0x55: {  	_ =	shalt  }
0x56: {  	_ =	shalt  }
0x57: {  	_ =	shalt  }
0x58: {  	_ =	shalt  }
0x59: {  	_ =	shalt  }
0x5a: {  	_ =	shalt  }
0x5b: {  	_ =	shalt  }
0x5c: {  	_ =	shalt  }
0x5d: {  	_ =	shalt  }
0x5e: {  	_ =	shalt  }
0x5f: {  	_ =	shalt  }
0x60: {  	_ =	shalt  }
0x61: {  	_ =	shalt  }
0x62: {  	_ =	shalt  }
0x63: {  	_ =	shalt  }
0x64: {  	_ =	shalt  }
0x65: {  	_ =	shalt  }
0x66: {  	_ =	shalt  }
0x67: {  	_ =	shalt  }
0x68: {  	_ =	shalt  }
0x69: {  	_ =	shalt  }
0x6a: {  	_ =	shalt  }
0x6b: {  	_ =	shalt  }
0x6c: {  	_ =	shalt  }
0x6d: {  	_ =	shalt  }
0x6e: {  	_ =	shalt  }
0x6f: {  	_ =	shalt  }
0x70: {  	_ =	shalt  }
0x71: {  	_ =	shalt  }
0x72: {  	_ =	shalt  }
0x73: {  	_ =	shalt  }
0x74: {  	_ =	shalt  }
0x75: {  	_ =	shalt  }
0x76: {  	_ =	shalt  }
0x77: {  	_ =	shalt  }
0x78: {  	_ =	shalt  }
0x79: {  	_ =	shalt  }
0x7a: {  	_ =	shalt  }
0x7b: {  	_ =	shalt  }
0x7c: {  	_ =	shalt  }
0x7d: {  	_ =	shalt  }
0x7e: {  	_ =	shalt  }
0x7f: {  	_ =	shalt  }
0x80: {  	_ =	shalt  }
0x81: {  	_ =	shalt  }
0x82: {  	_ =	shalt  }
0x83: {  	_ =	shalt  }
0x84: {  	_ =	shalt  }
0x85: {  	_ =	shalt  }
0x86: {  	_ =	shalt  }
0x87: {  	_ =	shalt  }
.Lfunc_end0:
.L_simem_size_0:
called_computation.3_lowered:
.L_overlay_start_0:
0x88: {  	s2 =	sld [smem:$0x3FD9]  }
0x89: {  	s3 =	sld [smem:$0x3FFE];
	_ =	sdelay $0x1  }
0x8a: {  	s1 =	srdreg.scid  }
0x8b: {  	s0 =	sand.u32 $0x1, s1  }
0x8c: {  	s17 =	sshll.u32 s0, $0xA;
	s2 =	sadd.s32 s3, s2  }
0x8d: {  	s2 =	sadd.s32 s2, s17  }
0x8e: {  	[smem:$0x3FB8] =	sst s2  }
0x8f: {  	_ = 	snop  }
0x90: {  	s2 =	sld [smem:$0x3FD0];
	(tm) =	ssettm $0x1  }
0x91: {  	s18 =	sld [smem:$0x3FFB];
	_ =	sdelay $0x3  }
0x92: {  	_ =	strace s18  }
0x93: {  	s3 =	sld [smem:$0x3FFC];
	_ =	sdelay $0x3  }
0x94: {  	_ =	strace s3  }
0x95: {  	s3 =	sld [smem:$0x3FFD];
	_ =	sdelay $0x3  }
0x96: {  	_ =	strace s3  }
0x97: {  	_ =	strace $0x8FFFFFFF  }
0x98: {  	s19 =	sld [smem:$0x3FDB];
	_ =	sdelay $0x1  }
0x99: {  	s4 =	simm.s32 $_scs_section_size  }
0x9a: {  	s5 =	simm.s32 $_size__tile_overlayer_lowered;
	s6 =	simm.s32 $_tile_overlayer_lowered  }
0x9b: {  	s22 =	simm.s32 $0x1BFF;
	s21 =	sshll.u32 s6, $0x1;
	s3 =	sadd.s32 s4, s19  }
0x9c: {  	s7 =	simm.s32 $0x0;
	s20 =	sshll.u32 s5, $0x1;
	s5 =	sadd.s32 s21, s3  }
0x9d: {  	[timem:s7], [sflag:s22] =	dma.local [hbm:s5], s20  }
0x9e: {  	_ =	swait.ge [sflag:s22], s20  }
0x9f: {  	s4 =	ssub.s32 $0x0, s20;
	[sflag:s22] =	ssyncset.done $0x0  }
0xa0: {  	[sflag:s22] =	ssyncadd.s32 s4;
	_ =	sdelay $0x1  }
0xa1: {  	s23 =	simm.s32 $0x1B8B  }
0xa2: {  	_ =	swait.ge [sflag:s23], $0x1  }
0xa3: {  	[sflag:s23] =	ssyncset.done $0x0  }
0xa4: {  	s25 =	simm.s32 $0x1B8E;
	s24 =	sld [smem:$0x3FFE];
	[sflag:s23] =	ssyncadd.s32 $0xFFFFFFFF  }
0xa5: {  	s26 =	simm.s32 $execute0_lowered;
	[smem:$0x3FD2] =	sst s25  }
0xa6: {  	s5 =	sshll.u32 s26, $0x1;
	_ =	strace $0x8000004F;
	[dreg:$0x1] =	wrdreg $0xFFFFFFFF  }
0xa7: {  	s28 =	simm.s32 $_size_execute0_lowered;
	s3 =	sadd.s32 s3, s5;
	[dreg:$0x0] =	wrdreg $0x0  }
0xa8: {  	s5 =	sshll.u32 s28, $0x1;
	[dreg:$0x2] =	wrdreg s3  }
0xa9: {  	[dreg:$0x3] =	wrdreg s5  }
0xaa: {  	[dreg:$0x4] =	wrdreg $0xC0  }
0xab: {  	_ =	task [dreg:s7], $0x5FFFF  }
0xac: {  	[dreg:$0x1] =	wrdreg $0xFFFFFFFF  }
0xad: {  	[dreg:$0x0] =	wrdreg $0x60  }
0xae: {  	[dreg:$0x2] =	wrdreg s24  }
0xaf: {  	[dreg:$0x3] =	wrdreg s2  }
0xb0: {  	[dreg:$0x4] =	wrdreg $0x90000  }
0xb1: {  	[dreg:$0x5] =	wrdreg $0x9  }
0xb2: {  	_ =	task.clear_ibuf [dreg:s7], $0x6FFFF;
	_ =	strace $0x9000004F  }
0xb3: {  	s29 =	simm.s32 $0x9;
	_ =	strace $0x80000051  }
0xb4: {  	_ =	swait.ge [sflag:s29], $0x1  }
0xb5: {  	[sflag:s29] =	ssyncadd.s32 $0xFFFFFFFF  }
0xb6: {  	_ =	strace $0x90000051  }
0xb7: {  	_ =	sfence  }
0xb8: {  	s30 =	sld [smem:$0x0];
	_ =	sdelay $0x2  }
0xb9: {  	s31 =	sshll.u32 s1, $0xD;
	s1 =	sshrl.u32 s1, $0x2  }
0xba: {  	s3 =	sand.u32 $0x4000, s31;
	s1 =	sadd.s32 s1, s30  }
0xbb: {  	s0 =	sor.u32 s3, s0;
	s1 =	sshll.u32 s1, $0x11  }
0xbc: {  	s0 =	sor.u32 s1, s0  }
0xbd: {  	s0 =	sadd.s32 $0x8F2B, s0  }
0xbe: {  	[sflag:s0] =	ssyncadd.remote.s32 $0x1  }
0xbf: {  	_ =	sfence.sel $0xFFFF  }
0xc0: {  	[dreg:$0x0] =	wrdreg $0xFFFFFFFF;
	(pc) =	sbr.abs _section_cstart, $3  }
0xc1: {  	[dreg:$0x1] =	wrdreg $0xFFFFFFFF  }
0xc2: {  	_ =	task.clear_ibuf [dreg:s7], $0x2FFFF;
	_ =	strace $0x9FFFFFFF  }
0xc3: {  	(tm) =	ssettm $0x7FFFFFFF  }
tec
execute0_lowered:
.L_overlay_start_1:
0x0: {  	(tag) =	ssettag $0x1  }
0x1: {  	s5 =	rddreg [dreg:$0x0]  }
0x2: {  	s0 =	srdreg.scid;
	s7 =	rddreg [dreg:$0x1]  }
0x3: {  	s2 =	rddreg [dreg:$0x2];
	s3 =	simm.s32 $0x0;
	s15 =	simm.s32 $0x5000  }
0x4: {  	s16 =	simm.s32 $0x1;
	s6 =	sand.u32 $0x1, s0;
	s0 =	stileid.u32  }
0x5: {  	s17 =	simm.s32 $0x0;
	[smem:$0x7FF] =	sst s3;
	s9 =	smul.u32 $0x14000, s0  }
0x6: {  	s1 =	sshll.u32 s6, $0x4;
	s10 =	smul.u32 $0x140000, s6;
	s6 =	ssub.s32 $0x2, s6  }
0x7: {  	s30 =	smul.u32 $0x50000, s0;
	s31 =	sshll.u32 s0, $0x6;
	s4 =	sor.u32 s0, s1  }
0x8: {  	s1 =	rddreg [dreg:$0x3];
	_ =	strace $0x80000050;
	s13 =	sshrl.u32 s6, $0x1  }
0x9: {  	s8 =	smul.u32 $0x500, s4;
	s4 =	sadd.s32 $0x2BC00, s5;
	s12 =	sshrl.u32 s9, $0x3  }
0xa: {  	s9 =	sadd.s32 s9, s10;
	s13 =	ssub.s32 s6, s13;
	s10 =	sshrl.u32 s30, $0x2  }
0xb: {  	s12 =	sadd.s32 s12, s5;
	s9 =	sshrl.u32 s9, $0x3;
	s14 =	sadd.s32 s10, s2  }
0xc: {  	s10 =	simm.s32 $0x2;
	s11 =	sadd.s32 s8, s5;
	s9 =	sadd.s32 s9, s5  }
0xd: {  	s6 =	sadd.s32 s7, s8;
	s7 =	sadd.s32 $0x3C00, s12;
	s12 =	sor.u32 $0x1C02, s31  }
0xe: {  	s5 =	sadd.s32 $0x7C400, s11;
	s8 =	sadd.s32 $0x86400, s9;
	s9 =	smax.u32 s13, $0x1  }
0xf: {  	s11 =	simm.s32 $0x2800;
	s13 =	sshrl.u32 s14, $0x3;
	s14 =	simm.s32 $0x80  }
.LBB2_1:
0x10: {  	[tilespmem:s3], [sflag:$0x2] =	stream.linear.gather [hbm4b:s5+s3], $0x2780, $0x38;
	[tilespmem:$0x1D000] =	vst v63  }
0x11: {  	_ =	swait.ge [sflag:s10], $0x2780  }
0x12: {  	[sflag:s10] =	ssyncset.done $0x0  }
0x13: {  	[sflag:s10] =	ssyncadd.s32 $0xFFFFD880  }
0x14: {  	[tilespmem:s11], [sflag:$0x2] =	stream.linear.gather [hbm4b:s6+s3], $0x2780, $0x38;
	[tilespmem:$0x1D000] =	vst v63  }
0x15: {  	_ =	swait.ge [sflag:s10], $0x2780  }
0x16: {  	[sflag:s10] =	ssyncset.done $0x0  }
0x17: {  	[sflag:s10] =	ssyncadd.s32 $0xFFFFD880  }
0x18: {  	[spmem:s13], [sflag:s12] =	dma.local [hbm:s7], $0x2800  }
0x19: {  	_ =	swait.ge [sflag:s10], $0x2800  }
0x1a: {  	[sflag:s10] =	ssyncset.done $0x0  }
0x1b: {  	[sflag:s10] =	ssyncadd.s32 $0xFFFFD800  }
0x1c: {  	s18 =	simm.s32 $0x0;
	[bflag:$0x0] =	sbarrier.arrive $0xFFFF  }
0x1d: {  	[tilespmem:s15], [sflag:$0x1] =	stream.indirect.gather [hbm4b:s4+s14], $0x80, s18, s14, $0xb8;
	[tilespmem:$0x1D000] =	vst v63  }
0x1e: {  	_ =	swait.ge [sflag:s16], $0x4000  }
0x1f: {  	[sflag:s16] =	ssyncset.done $0x0  }
0x20: {  	s31 =	simm.s32 $0x2800;
	[sflag:s16] =	ssyncadd.s32 $0xFFFFC000  }
0x21: {  	[spmem:s2] =	stream.indirect.scatter.add.f32 [tilespmem:s15], [sflag:$0x2], $0x80, s31, s14, $0xb8;
	[tilespmem:$0x1D000] =	vst v63  }
0x22: {  	_ =	swait.ge [sflag:s10], $0x4000  }
0x23: {  	s19 =	simm.s32 $0x400;
	s18 =	simm.s32 $0x200;
	[sflag:s10] =	ssyncset.done $0x0  }
.LBB2_2:
0x24: {  	s20 =	sshra.s32 s18, $0x2  }
0x25: {  	[sflag:s10] =	ssyncadd.s32 $0xFFFFC000;
	s18 =	smov.u32 s19;
	s21 =	sadd.s32 $0x200, s19  }
0x26: {  	[tilespmem:s15], [sflag:$0x1] =	stream.indirect.gather [hbm4b:s4+s14], $0x80, s20, s14, $0xb8;
	[tilespmem:$0x1D000] =	vst v63  }
0x27: {  	p0 =	sne.s32 s19, $0x9C00;
	_ =	swait.ge [sflag:s16], $0x4000  }
.Ltmp0:
0x28: {  	[sflag:s16] =	ssyncset.done $0x0;
	(pc) =	sbr.rel @p0 .LBB2_2-.Ltmp0, $4  }
0x29: {  	s19 =	sadd.s32 $0x2800, s20;
	[sflag:s16] =	ssyncadd.s32 $0xFFFFC000  }
0x2a: {  	[spmem:s2] =	stream.indirect.scatter.add.f32 [tilespmem:s15], [sflag:$0x2], $0x80, s19, s14, $0xb8;
	[tilespmem:$0x1D000] =	vst v63  }
0x2b: {  	_ =	swait.ge [sflag:s10], $0x4000  }
0x2c: {  	s19 =	smov.u32 s21;
	[sflag:s10] =	ssyncset.done $0x0  }
0x2d: {  	s18 =	sshra.s32 s18, $0x2;
	[sflag:s10] =	ssyncadd.s32 $0xFFFFC000  }
0x2e: {  	[tilespmem:s15], [sflag:$0x1] =	stream.indirect.gather [hbm4b:s4+s14], $0x80, s18, s14, $0xb8;
	[tilespmem:$0x1D000] =	vst v63  }
0x2f: {  	_ =	swait.ge [sflag:s16], $0x4000  }
0x30: {  	[sflag:s16] =	ssyncset.done $0x0  }
0x31: {  	s18 =	sadd.s32 $0x2800, s18;
	[sflag:s16] =	ssyncadd.s32 $0xFFFFC000  }
0x32: {  	[spmem:s2] =	stream.indirect.scatter.add.f32 [tilespmem:s15], [sflag:$0x2], $0x80, s18, s14, $0xb8;
	[tilespmem:$0x1D000] =	vst v63  }
0x33: {  	_ =	swait.ge [sflag:s10], $0x4000  }
0x34: {  	s17 =	sadd.s32 $0x1, s17;
	[sflag:s10] =	ssyncset.done $0x0  }
0x35: {  	p0 =	sne.s32 s17, s9;
	[sflag:s10] =	ssyncadd.s32 $0xFFFFC000  }
.Ltmp1:
0x36: {  	[bflag:$0x0] =	sbarrier.arrive $0xFFFF;
	(pc) =	sbr.rel @p0 .LBB2_1-.Ltmp1, $4  }
0x37: {  	[hbm:s8], [sflag:s12] =	dma.local [spmem:s13], $0x2800  }
0x38: {  	_ =	swait.ge [sflag:s10], $0x2800  }
0x39: {  	[sflag:s10] =	ssyncset.done $0x0  }
0x3a: {  	[sflag:s10] =	ssyncadd.s32 $0xFFFFD800  }
0x3b: {  	_ =	sfence.sel $0x180000  }
0x3c: {  	[bflag:$0x0] =	sbarrier.arrive $0xFFFF  }
0x3d: {  	p0 =	sne.s32 s0, $0x0;
	_ =	strace $0x90000050  }
0x3e: {  	s0 =	sadd.s32 @!p0 $0x100000, s1;
	[bflag:$0x2] =	sbarrier.arrive $0xFFFF  }
0x3f: {  	[sflag:s0] =	ssyncadd.tile.s32 @!p0 $0x1;
	_ =	shalt  }
.Lfunc_end2:
_tile_overlayer_lowered:
.L_overlay_start_2:
0x40: {  	(tag) =	ssettag $0x2  }
0x41: {  	s0 =	rddreg [dreg:$0x0];
	s2 =	stileid.u32  }
0x42: {  	s1 =	rddreg [dreg:$0x1];
	p0 =	sne.s32 s2, $0x0  }
0x43: {  	s3 =	rddreg [dreg:$0x2];
	[bflag:$0x3] =	sbarrier.arrive $0xFFFF;
	s2 =	simm.s32 @!p0 $0x1C02  }
0x44: {  	[timem:s3], [sflag:s2] =	dma.local @!p0 [hbm:s0], s1  }
0x45: {  	s0 =	simm.s32 @!p0 $0x2  }
0x46: {  	_ =	swait.ge @!p0 [sflag:s0], s1  }
0x47: {  	s1 =	ssub.s32 @!p0 $0x0, s1;
	[sflag:s0] =	ssyncset.done @!p0 $0x0  }
0x48: {  	[sflag:s0] =	ssyncadd.s32 @!p0 s1  }
0x49: {  	[bflag:$0x3] =	sbarrier.arrive $0xFFFF  }
0x4a: {  	_ =	shalt  }

</sc_bundles>
